<compile_context>
chip_gen: v7x
topology: tpu7x:2x2x1
jax: 0.10.2.dev20260603
libtpu: 0.0.44.dev20260713+nightly
codegen_flags: <defaults>
</compile_context>

<pallas_src>
import functools

import jax
import jax.numpy as jnp
from jax import lax
from jax.experimental import pallas as pl
from jax.experimental.pallas import tpu as pltpu
from jax.experimental.pallas import tpu_sc as plsc

H, W = 480, 640
HW = H * W
N_EV = 500000
FLOW_SCALING = 128.0

NUM_WORKERS = 32
BPW = 15616
MAIN = NUM_WORKERS * BPW
TAIL = N_EV - MAIN



HALF = BPW // 2


def _sc_gather_body(xs_hbm, ys_hbm, flow_hbm, out_hbm,
                    xs_v, ys_v, iix_v, iiy_v, valx_v, valy_v, sem0, sem1):
    wid = lax.axis_index("s") * 2 + lax.axis_index("c")
    base = wid * BPW

    def fill(lo, ngrp):
        def grp(g, c2):
            s = pl.ds((lo + g) * 16, 16)
            ii = xs_v[s] + ys_v[s] * W
            iix_v[s] = ii
            iiy_v[s] = ii + HW
            return c2

        lax.fori_loop(0, ngrp, grp, 0)

    pltpu.sync_copy(xs_hbm.at[pl.ds(base, BPW)], xs_v)
    pltpu.sync_copy(ys_hbm.at[pl.ds(base, BPW)], ys_v)

    fill(0, HALF // 16)
    h0 = pl.ds(0, HALF)
    cx0 = pltpu.async_copy(flow_hbm.at[iix_v.at[h0]], valx_v.at[h0], sem0)
    cy0 = pltpu.async_copy(flow_hbm.at[iiy_v.at[h0]], valy_v.at[h0], sem0)
    fill(HALF // 16, HALF // 16)
    h1 = pl.ds(HALF, HALF)
    cx1 = pltpu.async_copy(flow_hbm.at[iix_v.at[h1]], valx_v.at[h1], sem1)
    cy1 = pltpu.async_copy(flow_hbm.at[iiy_v.at[h1]], valy_v.at[h1], sem1)
    cx0.wait()
    cy0.wait()
    pltpu.sync_copy(valx_v.at[h0], out_hbm.at[pl.ds(base, HALF)])
    pltpu.sync_copy(valy_v.at[h0], out_hbm.at[pl.ds(N_EV + base, HALF)])
    cx1.wait()
    cy1.wait()
    pltpu.sync_copy(valx_v.at[h1], out_hbm.at[pl.ds(base + HALF, HALF)])
    pltpu.sync_copy(valy_v.at[h1], out_hbm.at[pl.ds(N_EV + base + HALF, HALF)])

    @pl.when(wid == NUM_WORKERS - 1)
    def _tail():
        t = TAIL
        tt = pl.ds(0, t)
        pltpu.sync_copy(xs_hbm.at[pl.ds(MAIN, t)], xs_v.at[tt])
        pltpu.sync_copy(ys_hbm.at[pl.ds(MAIN, t)], ys_v.at[tt])
        fill(0, t // 16)
        cx = pltpu.async_copy(flow_hbm.at[iix_v.at[tt]], valx_v.at[tt], sem0)
        cy = pltpu.async_copy(flow_hbm.at[iiy_v.at[tt]], valy_v.at[tt], sem0)
        cx.wait()
        cy.wait()
        pltpu.sync_copy(valx_v.at[tt], out_hbm.at[pl.ds(MAIN, t)])
        pltpu.sync_copy(valy_v.at[tt], out_hbm.at[pl.ds(N_EV + MAIN, t)])


@functools.lru_cache(maxsize=1)
def _sc_gather():
    return functools.partial(
        pl.kernel,
        out_type=jax.ShapeDtypeStruct((2 * N_EV,), jnp.float32),
        mesh=plsc.VectorSubcoreMesh(core_axis_name="c", subcore_axis_name="s"),
        compiler_params=pltpu.CompilerParams(
            needs_layout_passes=False, use_tc_tiling_on_sc=False),
        scratch_types=[
            pltpu.VMEM((BPW,), jnp.int32),
            pltpu.VMEM((BPW,), jnp.int32),
            pltpu.VMEM((BPW,), jnp.int32),
            pltpu.VMEM((BPW,), jnp.int32),
            pltpu.VMEM((BPW,), jnp.float32),
            pltpu.VMEM((BPW,), jnp.float32),
            pltpu.SemaphoreType.DMA,
            pltpu.SemaphoreType.DMA,
        ],
    )(_sc_gather_body)



def _warp_body(flow_ref, out_ref):
    f = flow_ref[...]
    xii = lax.broadcasted_iota(jnp.int32, (1, H, W), 2)
    yii = lax.broadcasted_iota(jnp.int32, (1, H, W), 1)
    xi = xii.astype(jnp.float32)
    yi = yii.astype(jnp.float32)
    gx = 2.0 * xi / (W - 1) - 1.0
    gy = 2.0 * yi / (H - 1) - 1.0
    px = (gx + 1.0) * (W - 1) / 2.0
    py = (gy + 1.0) * (H - 1) / 2.0
    x0 = jnp.floor(px)
    y0 = jnp.floor(py)
    wx = px - x0
    wy = py - y0
    x0i = jnp.clip(x0.astype(jnp.int32), 0, W - 1)
    x1i = jnp.clip(x0i + 1, 0, W - 1)
    y0i = jnp.clip(y0.astype(jnp.int32), 0, H - 1)
    y1i = jnp.clip(y0i + 1, 0, H - 1)
    fxm = jnp.concatenate([f[:, :, :1], f[:, :, :-1]], axis=2)
    fxp = jnp.concatenate([f[:, :, 1:], f[:, :, -1:]], axis=2)
    g0 = jnp.where(x0i == xii, f, fxm)
    g1 = jnp.where(x1i == xii, f, fxp)
    g0u = jnp.concatenate([g0[:, :1, :], g0[:, :-1, :]], axis=1)
    g0d = jnp.concatenate([g0[:, 1:, :], g0[:, -1:, :]], axis=1)
    g1u = jnp.concatenate([g1[:, :1, :], g1[:, :-1, :]], axis=1)
    g1d = jnp.concatenate([g1[:, 1:, :], g1[:, -1:, :]], axis=1)
    cy0 = y0i == yii
    cy1 = y1i == yii
    v00 = jnp.where(cy0, g0, g0u)
    v01 = jnp.where(cy0, g1, g1u)
    v10 = jnp.where(cy1, g0, g0d)
    v11 = jnp.where(cy1, g1, g1d)
    samp = (v00 * (1.0 - wy) * (1.0 - wx) + v01 * (1.0 - wy) * wx
            + v10 * wy * (1.0 - wx) + v11 * wy * wx)
    ind = jnp.concatenate([xi, yi], axis=0)
    warped = ind + samp * FLOW_SCALING
    out_ref[...] = warped - ind


_warp = pl.pallas_call(
    _warp_body,
    out_shape=jax.ShapeDtypeStruct((2, H, W), jnp.float32),
)


def kernel(flow, event_list, event_mask, dt_input, dt_gt):
    flow_flat = flow.reshape(2 * HW)
    xs = event_list[0, :, 1]
    ys = event_list[0, :, 2]
    planes = _sc_gather()(xs, ys, flow_flat)
    event_flow = planes.reshape(2, N_EV).T[None]
    accum = _warp(flow.reshape(2, H, W)).reshape(1, 2, H, W)
    return event_flow, accum

# --- scband reference (transcript-rebuilt; emitter-appended) ---
"""Pipeline reference for scband-validation-44822278701625 (READ-ONLY COPY).

The authoritative reference and input builder live on the scoring server;
editing this copy changes nothing except your own understanding.
"""

import jax, jax.numpy as jnp
import numpy as np

H, W = 480, 640
N_EV = 500000
FLOW_SCALING = 128.0


def setup_inputs(seed: int = 0):
    key = jax.random.key(seed)
    k1, k2, k3, k4 = jax.random.split(key, 4)
    flow = jax.random.normal(k1, (1, 2, H, W), dtype=jnp.float32)
    xs = jax.random.randint(k2, (1, N_EV), 0, W, dtype=jnp.int32)
    ys = jax.random.randint(k3, (1, N_EV), 0, H, dtype=jnp.int32)
    ts = jnp.zeros((1, N_EV), dtype=jnp.int32)
    ps = jax.random.randint(k4, (1, N_EV), 0, 2, dtype=jnp.int32) * 2 - 1
    event_list = jnp.stack([ts, xs, ys, ps], axis=-1)  # [1, N, 4] = (ts, x, y, p)
    event_mask = jax.random.uniform(jax.random.fold_in(key, 5), (1, H, W), dtype=jnp.float32)
    return {"flow": flow, "event_list": event_list, "event_mask": event_mask, "dt_input": 1, "dt_gt": 1}


def _bilinear_grid_sample(img, px, py, h, w):
    # img: [C, H, W]; px, py: [P] pixel coords (align_corners=True mapping already applied)
    x0 = jnp.floor(px)
    y0 = jnp.floor(py)
    wx = px - x0
    wy = py - y0
    x0i = jnp.clip(x0.astype(jnp.int32), 0, w - 1)
    x1i = jnp.clip(x0i + 1, 0, w - 1)
    y0i = jnp.clip(y0.astype(jnp.int32), 0, h - 1)
    y1i = jnp.clip(y0i + 1, 0, h - 1)
    v00 = img[:, y0i, x0i]
    v01 = img[:, y0i, x1i]
    v10 = img[:, y1i, x0i]
    v11 = img[:, y1i, x1i]
    return v00 * (1.0 - wy) * (1.0 - wx) + v01 * (1.0 - wy) * wx + v10 * wy * (1.0 - wx) + v11 * wy * wx


def _forward(flow, event_list):
    B, _, h, w = flow.shape
    # --- get_event_flow, mode='gather': per-event lookup into flattened flow map ---
    idx = (event_list[..., 1] + event_list[..., 2] * w).astype(jnp.int32)  # [B, N], x + y*W
    flow_flat = flow.reshape(B, 2, -1).transpose(0, 2, 1)  # [B, H*W, 2]
    idx2 = jnp.repeat(idx[..., None], 2, axis=2)
    event_flow = jnp.take_along_axis(flow_flat, idx2, axis=1)  # [B, N, 2]
    # --- first pass: indices = indices_map (identity pixel grid) ---
    my, mx = jnp.meshgrid(jnp.arange(h), jnp.arange(w), indexing="ij")
    indices_map = jnp.stack([mx, my], axis=0)[None].astype(jnp.float32)  # [1, 2, H, W] (x, y)
    mask_valid = ((indices_map[:, 0:1] >= 0) & (indices_map[:, 0:1] <= w - 1.0) & (indices_map[:, 1:2] >= 0) & (indices_map[:, 1:2] <= h - 1.0)).astype(jnp.float32)
    # --- get_event_flow, mode='grid': bilinear grid_sample (align_corners=True) ---
    indices_list = indices_map.reshape(1, 2, -1).transpose(0, 2, 1)  # [1, P, 2]
    gx = 2.0 * indices_list[0, :, 0] / (w - 1) - 1.0
    gy = 2.0 * indices_list[0, :, 1] / (h - 1) - 1.0
    px = (gx + 1.0) * (w - 1) / 2.0
    py = (gy + 1.0) * (h - 1) / 2.0
    samp = _bilinear_grid_sample(flow[0], px, py, h, w)  # [2, P]
    curr_flow = samp.reshape(2, h, w)[None]  # [1, 2, H, W]
    warped_indices = indices_map + curr_flow * mask_valid * FLOW_SCALING
    accum_flow_map = warped_indices - indices_map
    return event_flow, accum_flow_map


def reference(flow, event_list, event_mask, dt_input, dt_gt):
    # Faithful translation of Validation.event_flow_association on a freshly reset
    # module (passes=0, _flow_warping_indices=None): computes per-event flow via
    # gather-mode lookup and the accumulated warp map via grid-mode bilinear sampling.
    # event_mask / dt_input / dt_gt are only stored as state in the original module.
    return _forward(flow, event_list)

if __name__ == "__main__":
    import jax
    _d = setup_inputs()
    print(jax.jit(kernel)(*tuple(_d.values())))

</pallas_src>

<mosaic_0001>
#map = affine_map<(d0, d1) -> (0)>
module attributes {stable_mosaic.version = 14 : i64} {
  func.func @_sc_gather_body(%arg0: i32, %arg1: i32, %arg2: memref<500000xi32, #tpu.memory_space<hbm>>, %arg3: memref<500000xi32, #tpu.memory_space<hbm>>, %arg4: memref<614400xf32, #tpu.memory_space<hbm>>, %arg5: memref<1000000xf32, #tpu.memory_space<hbm>>, %arg6: memref<15616xi32, #tpu.memory_space<vmem>>, %arg7: memref<15616xi32, #tpu.memory_space<vmem>>, %arg8: memref<15616xi32, #tpu.memory_space<vmem>>, %arg9: memref<15616xi32, #tpu.memory_space<vmem>>, %arg10: memref<15616xf32, #tpu.memory_space<vmem>>, %arg11: memref<15616xf32, #tpu.memory_space<vmem>>, %arg12: memref<!tpu.dma_semaphore, #tpu.memory_space<semaphore_mem>>, %arg13: memref<!tpu.dma_semaphore, #tpu.memory_space<semaphore_mem>>) attributes {dimension_semantics = [#tpu.dimension_semantics<core_parallel>, #tpu.dimension_semantics<subcore_parallel>], iteration_bounds = array<i64: 2, 16>, scalar_prefetch = 0 : i64, scratch_operands = 8 : i64, tpu.core_type = #tpu.core_type<sc_vector_subcore>, window_params = [{transform_indices = #map}, {transform_indices = #map}, {transform_indices = #map}, {transform_indices = #map}]} {
    %mul3A = arith.constant 2 : i32
    %mul3A_0 = arith.muli %arg1, %mul3A : i32
    %add3A = arith.addi %mul3A_0, %arg0 : i32
    %mul3A_1 = arith.constant 15616 : i32
    %mul3A_2 = arith.muli %add3A, %mul3A_1 : i32
    "tpu.region"() ({
      %run_scoped3A = tpu.sem_alloc : memref<!tpu.dma_semaphore, #tpu.memory_space<semaphore_mem>>
      %dma_start3A_70 = tpu.memref_slice %arg2[%mul3A_2] : memref<500000xi32, #tpu.memory_space<hbm>> -> memref<15616xi32, #tpu.memory_space<hbm>>
      %dma_start3A_71 = tpu.memref_slice %arg2[%mul3A_2] : memref<500000xi32, #tpu.memory_space<hbm>> -> memref<15616xi32, #tpu.memory_space<hbm>>
      tpu.enqueue_dma source(%dma_start3A_71 : memref<15616xi32, #tpu.memory_space<hbm>>) target(%arg6 : memref<15616xi32, #tpu.memory_space<vmem>>) target_semaphore(%run_scoped3A : memref<!tpu.dma_semaphore, #tpu.memory_space<semaphore_mem>>)
      %dma_wait3A_72 = tpu.memref_slice %arg2[%mul3A_2] : memref<500000xi32, #tpu.memory_space<hbm>> -> memref<15616xi32, #tpu.memory_space<hbm>>
      %dma_wait3A_73 = tpu.memref_slice %arg2[%mul3A_2] : memref<500000xi32, #tpu.memory_space<hbm>> -> memref<15616xi32, #tpu.memory_space<hbm>>
      tpu.wait_dma2 semaphore(%run_scoped3A : memref<!tpu.dma_semaphore, #tpu.memory_space<semaphore_mem>>) src(%dma_wait3A_73 : memref<15616xi32, #tpu.memory_space<hbm>>) dst(%arg6 : memref<15616xi32, #tpu.memory_space<vmem>>)
      tpu.yield
    }) : () -> ()
    "tpu.region"() ({
      %run_scoped3A = tpu.sem_alloc : memref<!tpu.dma_semaphore, #tpu.memory_space<semaphore_mem>>
      %dma_start3A_70 = tpu.memref_slice %arg3[%mul3A_2] : memref<500000xi32, #tpu.memory_space<hbm>> -> memref<15616xi32, #tpu.memory_space<hbm>>
      %dma_start3A_71 = tpu.memref_slice %arg3[%mul3A_2] : memref<500000xi32, #tpu.memory_space<hbm>> -> memref<15616xi32, #tpu.memory_space<hbm>>
      tpu.enqueue_dma source(%dma_start3A_71 : memref<15616xi32, #tpu.memory_space<hbm>>) target(%arg7 : memref<15616xi32, #tpu.memory_space<vmem>>) target_semaphore(%run_scoped3A : memref<!tpu.dma_semaphore, #tpu.memory_space<semaphore_mem>>)
      %dma_wait3A_72 = tpu.memref_slice %arg3[%mul3A_2] : memref<500000xi32, #tpu.memory_space<hbm>> -> memref<15616xi32, #tpu.memory_space<hbm>>
      %dma_wait3A_73 = tpu.memref_slice %arg3[%mul3A_2] : memref<500000xi32, #tpu.memory_space<hbm>> -> memref<15616xi32, #tpu.memory_space<hbm>>
      tpu.wait_dma2 semaphore(%run_scoped3A : memref<!tpu.dma_semaphore, #tpu.memory_space<semaphore_mem>>) src(%dma_wait3A_73 : memref<15616xi32, #tpu.memory_space<hbm>>) dst(%arg7 : memref<15616xi32, #tpu.memory_space<vmem>>)
      tpu.yield
    }) : () -> ()
    %scan3A = arith.constant 0 : i32
    %scan3A_3 = arith.constant 0 : i32
    %scan3A_4 = arith.constant 488 : i32
    %scan3A_5 = arith.addi %scan3A_3, %scan3A_4 : i32
    %scan3A_6 = arith.constant 1 : i32
    scf.for %scan3A_70 = %scan3A_3 to %scan3A_5 step %scan3A_6  : i32 {
      %add3A_71 = arith.constant 0 : i32
      %add3A_72 = arith.addi %add3A_71, %scan3A_70 : i32
      %mul3A_73 = arith.constant 16 : i32
      %mul3A_74 = arith.muli %add3A_72, %mul3A_73 : i32
      %get3A = arith.index_cast %mul3A_74 : i32 to index
      %get3A_75 = tpu.vector_load %arg6[%get3A] {strides = array<i32>} : memref<15616xi32, #tpu.memory_space<vmem>>, vector<16xi32>,
      %get3A_76 = arith.index_cast %mul3A_74 : i32 to index
      %get3A_77 = tpu.vector_load %arg7[%get3A_76] {strides = array<i32>} : memref<15616xi32, #tpu.memory_space<vmem>>, vector<16xi32>,
      %mul3A_78 = arith.constant 640 : i32
      %mul3A_79 = vector.broadcast %mul3A_78 : i32 to vector<16xi32>
      %mul3A_80 = arith.muli %get3A_77, %mul3A_79 : vector<16xi32>
      %add3A_81 = arith.addi %get3A_75, %mul3A_80 : vector<16xi32>
      %swap3A = arith.index_cast %mul3A_74 : i32 to index
      %swap3A_82 = tpu.vector_load %arg8[%swap3A] {strides = array<i32>} : memref<15616xi32, #tpu.memory_space<vmem>>, vector<16xi32>,
      tpu.vector_store %arg8[%swap3A], %add3A_81 {strides = array<i32>} : memref<15616xi32, #tpu.memory_space<vmem>>, vector<16xi32>,
      %add3A_83 = arith.constant 307200 : i32
      %add3A_84 = vector.broadcast %add3A_83 : i32 to vector<16xi32>
      %add3A_85 = arith.addi %add3A_81, %add3A_84 : vector<16xi32>
      %swap3A_86 = arith.index_cast %mul3A_74 : i32 to index
      %swap3A_87 = tpu.vector_load %arg9[%swap3A_86] {strides = array<i32>} : memref<15616xi32, #tpu.memory_space<vmem>>, vector<16xi32>,
      tpu.vector_store %arg9[%swap3A_86], %add3A_85 {strides = array<i32>} : memref<15616xi32, #tpu.memory_space<vmem>>, vector<16xi32>,
    }
    %scan3A_7 = arith.constant 488 : i32
    %dma_start3A = arith.constant 0 : i32
    %dma_start3A_8 = tpu.memref_slice %arg10[%dma_start3A] : memref<15616xf32, #tpu.memory_space<vmem>> -> memref<7808xf32, #tpu.memory_space<vmem>>
    %dma_start3A_9 = arith.constant 0 : i32
    %dma_start3A_10 = tpu.memref_slice %arg8[%dma_start3A_9] : memref<15616xi32, #tpu.memory_space<vmem>> -> memref<7808xi32, #tpu.memory_space<vmem>>
    %dma_start3A_11 = arith.constant 0 : i32
    %dma_start3A_12 = tpu.memref_slice %arg4[%dma_start3A_11] : memref<614400xf32, #tpu.memory_space<hbm>> -> memref<614400xf32, #tpu.memory_space<hbm>>
    tpu.enqueue_indirect_dma source(%dma_start3A_12 : memref<614400xf32, #tpu.memory_space<hbm>>) target(%dma_start3A_8 : memref<7808xf32, #tpu.memory_space<vmem>>) offsets(%dma_start3A_10 : memref<7808xi32, #tpu.memory_space<vmem>>) semaphore(%arg12 : memref<!tpu.dma_semaphore, #tpu.memory_space<semaphore_mem>>)
    %dma_start3A_13 = arith.constant 0 : i32
    %dma_start3A_14 = tpu.memref_slice %arg11[%dma_start3A_13] : memref<15616xf32, #tpu.memory_space<vmem>> -> memref<7808xf32, #tpu.memory_space<vmem>>
    %dma_start3A_15 = arith.constant 0 : i32
    %dma_start3A_16 = tpu.memref_slice %arg9[%dma_start3A_15] : memref<15616xi32, #tpu.memory_space<vmem>> -> memref<7808xi32, #tpu.memory_space<vmem>>
    %dma_start3A_17 = arith.constant 0 : i32
    %dma_start3A_18 = tpu.memref_slice %arg4[%dma_start3A_17] : memref<614400xf32, #tpu.memory_space<hbm>> -> memref<614400xf32, #tpu.memory_space<hbm>>
    tpu.enqueue_indirect_dma source(%dma_start3A_18 : memref<614400xf32, #tpu.memory_space<hbm>>) target(%dma_start3A_14 : memref<7808xf32, #tpu.memory_space<vmem>>) offsets(%dma_start3A_16 : memref<7808xi32, #tpu.memory_space<vmem>>) semaphore(%arg12 : memref<!tpu.dma_semaphore, #tpu.memory_space<semaphore_mem>>)
    %scan3A_19 = arith.constant 0 : i32
    %scan3A_20 = arith.constant 0 : i32
    %scan3A_21 = arith.constant 488 : i32
    %scan3A_22 = arith.addi %scan3A_20, %scan3A_21 : i32
    %scan3A_23 = arith.constant 1 : i32
    scf.for %scan3A_70 = %scan3A_20 to %scan3A_22 step %scan3A_23  : i32 {
      %add3A_71 = arith.constant 488 : i32
      %add3A_72 = arith.addi %add3A_71, %scan3A_70 : i32
      %mul3A_73 = arith.constant 16 : i32
      %mul3A_74 = arith.muli %add3A_72, %mul3A_73 : i32
      %get3A = arith.index_cast %mul3A_74 : i32 to index
      %get3A_75 = tpu.vector_load %arg6[%get3A] {strides = array<i32>} : memref<15616xi32, #tpu.memory_space<vmem>>, vector<16xi32>,
      %get3A_76 = arith.index_cast %mul3A_74 : i32 to index
      %get3A_77 = tpu.vector_load %arg7[%get3A_76] {strides = array<i32>} : memref<15616xi32, #tpu.memory_space<vmem>>, vector<16xi32>,
      %mul3A_78 = arith.constant 640 : i32
      %mul3A_79 = vector.broadcast %mul3A_78 : i32 to vector<16xi32>
      %mul3A_80 = arith.muli %get3A_77, %mul3A_79 : vector<16xi32>
      %add3A_81 = arith.addi %get3A_75, %mul3A_80 : vector<16xi32>
      %swap3A = arith.index_cast %mul3A_74 : i32 to index
      %swap3A_82 = tpu.vector_load %arg8[%swap3A] {strides = array<i32>} : memref<15616xi32, #tpu.memory_space<vmem>>, vector<16xi32>,
      tpu.vector_store %arg8[%swap3A], %add3A_81 {strides = array<i32>} : memref<15616xi32, #tpu.memory_space<vmem>>, vector<16xi32>,
      %add3A_83 = arith.constant 307200 : i32
      %add3A_84 = vector.broadcast %add3A_83 : i32 to vector<16xi32>
      %add3A_85 = arith.addi %add3A_81, %add3A_84 : vector<16xi32>
      %swap3A_86 = arith.index_cast %mul3A_74 : i32 to index
      %swap3A_87 = tpu.vector_load %arg9[%swap3A_86] {strides = array<i32>} : memref<15616xi32, #tpu.memory_space<vmem>>, vector<16xi32>,
      tpu.vector_store %arg9[%swap3A_86], %add3A_85 {strides = array<i32>} : memref<15616xi32, #tpu.memory_space<vmem>>, vector<16xi32>,
    }
    %scan3A_24 = arith.constant 488 : i32
    %dma_start3A_25 = arith.constant 7808 : i32
    %dma_start3A_26 = tpu.memref_slice %arg10[%dma_start3A_25] : memref<15616xf32, #tpu.memory_space<vmem>> -> memref<7808xf32, #tpu.memory_space<vmem>>
    %dma_start3A_27 = arith.constant 7808 : i32
    %dma_start3A_28 = tpu.memref_slice %arg8[%dma_start3A_27] : memref<15616xi32, #tpu.memory_space<vmem>> -> memref<7808xi32, #tpu.memory_space<vmem>>
    %dma_start3A_29 = arith.constant 0 : i32
    %dma_start3A_30 = tpu.memref_slice %arg4[%dma_start3A_29] : memref<614400xf32, #tpu.memory_space<hbm>> -> memref<614400xf32, #tpu.memory_space<hbm>>
    tpu.enqueue_indirect_dma source(%dma_start3A_30 : memref<614400xf32, #tpu.memory_space<hbm>>) target(%dma_start3A_26 : memref<7808xf32, #tpu.memory_space<vmem>>) offsets(%dma_start3A_28 : memref<7808xi32, #tpu.memory_space<vmem>>) semaphore(%arg13 : memref<!tpu.dma_semaphore, #tpu.memory_space<semaphore_mem>>)
    %dma_start3A_31 = arith.constant 7808 : i32
    %dma_start3A_32 = tpu.memref_slice %arg11[%dma_start3A_31] : memref<15616xf32, #tpu.memory_space<vmem>> -> memref<7808xf32, #tpu.memory_space<vmem>>
    %dma_start3A_33 = arith.constant 7808 : i32
    %dma_start3A_34 = tpu.memref_slice %arg9[%dma_start3A_33] : memref<15616xi32, #tpu.memory_space<vmem>> -> memref<7808xi32, #tpu.memory_space<vmem>>
    %dma_start3A_35 = arith.constant 0 : i32
    %dma_start3A_36 = tpu.memref_slice %arg4[%dma_start3A_35] : memref<614400xf32, #tpu.memory_space<hbm>> -> memref<614400xf32, #tpu.memory_space<hbm>>
    tpu.enqueue_indirect_dma source(%dma_start3A_36 : memref<614400xf32, #tpu.memory_space<hbm>>) target(%dma_start3A_32 : memref<7808xf32, #tpu.memory_space<vmem>>) offsets(%dma_start3A_34 : memref<7808xi32, #tpu.memory_space<vmem>>) semaphore(%arg13 : memref<!tpu.dma_semaphore, #tpu.memory_space<semaphore_mem>>)
    %dma_wait3A = arith.constant 0 : i32
    %dma_wait3A_37 = tpu.memref_slice %arg10[%dma_wait3A] : memref<15616xf32, #tpu.memory_space<vmem>> -> memref<7808xf32, #tpu.memory_space<vmem>>
    %dma_wait3A_38 = arith.constant 0 : i32
    %dma_wait3A_39 = tpu.memref_slice %arg8[%dma_wait3A_38] : memref<15616xi32, #tpu.memory_space<vmem>> -> memref<7808xi32, #tpu.memory_space<vmem>>
    %dma_wait3A_40 = arith.constant 0 : i32
    %dma_wait3A_41 = tpu.memref_slice %arg4[%dma_wait3A_40] : memref<614400xf32, #tpu.memory_space<hbm>> -> memref<614400xf32, #tpu.memory_space<hbm>>
    tpu.wait_indirect_dma semaphore(%arg12 : memref<!tpu.dma_semaphore, #tpu.memory_space<semaphore_mem>>) src(%dma_wait3A_41 : memref<614400xf32, #tpu.memory_space<hbm>>) dst(%dma_wait3A_37 : memref<7808xf32, #tpu.memory_space<vmem>>)
    %dma_wait3A_42 = arith.constant 0 : i32
    %dma_wait3A_43 = tpu.memref_slice %arg11[%dma_wait3A_42] : memref<15616xf32, #tpu.memory_space<vmem>> -> memref<7808xf32, #tpu.memory_space<vmem>>
    %dma_wait3A_44 = arith.constant 0 : i32
    %dma_wait3A_45 = tpu.memref_slice %arg9[%dma_wait3A_44] : memref<15616xi32, #tpu.memory_space<vmem>> -> memref<7808xi32, #tpu.memory_space<vmem>>
    %dma_wait3A_46 = arith.constant 0 : i32
    %dma_wait3A_47 = tpu.memref_slice %arg4[%dma_wait3A_46] : memref<614400xf32, #tpu.memory_space<hbm>> -> memref<614400xf32, #tpu.memory_space<hbm>>
    tpu.wait_indirect_dma semaphore(%arg12 : memref<!tpu.dma_semaphore, #tpu.memory_space<semaphore_mem>>) src(%dma_wait3A_47 : memref<614400xf32, #tpu.memory_space<hbm>>) dst(%dma_wait3A_43 : memref<7808xf32, #tpu.memory_space<vmem>>)
    "tpu.region"() ({
      %run_scoped3A = tpu.sem_alloc : memref<!tpu.dma_semaphore, #tpu.memory_space<semaphore_mem>>
      %dma_start3A_70 = arith.constant 0 : i32
      %dma_start3A_71 = tpu.memref_slice %arg10[%dma_start3A_70] : memref<15616xf32, #tpu.memory_space<vmem>> -> memref<7808xf32, #tpu.memory_space<vmem>>
      %dma_start3A_72 = tpu.memref_slice %arg5[%mul3A_2] : memref<1000000xf32, #tpu.memory_space<hbm>> -> memref<7808xf32, #tpu.memory_space<hbm>>
      %dma_start3A_73 = tpu.memref_slice %arg5[%mul3A_2] : memref<1000000xf32, #tpu.memory_space<hbm>> -> memref<7808xf32, #tpu.memory_space<hbm>>
      %dma_start3A_74 = arith.constant 0 : i32
      %dma_start3A_75 = tpu.memref_slice %arg10[%dma_start3A_74] : memref<15616xf32, #tpu.memory_space<vmem>> -> memref<7808xf32, #tpu.memory_space<vmem>>
      tpu.enqueue_dma source(%dma_start3A_75 : memref<7808xf32, #tpu.memory_space<vmem>>) target(%dma_start3A_73 : memref<7808xf32, #tpu.memory_space<hbm>>) target_semaphore(%run_scoped3A : memref<!tpu.dma_semaphore, #tpu.memory_space<semaphore_mem>>)
      %dma_wait3A_76 = arith.constant 0 : i32
      %dma_wait3A_77 = tpu.memref_slice %arg10[%dma_wait3A_76] : memref<15616xf32, #tpu.memory_space<vmem>> -> memref<7808xf32, #tpu.memory_space<vmem>>
      %dma_wait3A_78 = tpu.memref_slice %arg5[%mul3A_2] : memref<1000000xf32, #tpu.memory_space<hbm>> -> memref<7808xf32, #tpu.memory_space<hbm>>
      %dma_wait3A_79 = tpu.memref_slice %arg5[%mul3A_2] : memref<1000000xf32, #tpu.memory_space<hbm>> -> memref<7808xf32, #tpu.memory_space<hbm>>
      %dma_wait3A_80 = arith.constant 0 : i32
      %dma_wait3A_81 = tpu.memref_slice %arg10[%dma_wait3A_80] : memref<15616xf32, #tpu.memory_space<vmem>> -> memref<7808xf32, #tpu.memory_space<vmem>>
      tpu.wait_dma2 semaphore(%run_scoped3A : memref<!tpu.dma_semaphore, #tpu.memory_space<semaphore_mem>>) src(%dma_wait3A_81 : memref<7808xf32, #tpu.memory_space<vmem>>) dst(%dma_wait3A_79 : memref<7808xf32, #tpu.memory_space<hbm>>)
      tpu.yield
    }) : () -> ()
    %add3A_48 = arith.constant 500000 : i32
    %add3A_49 = arith.addi %add3A_48, %mul3A_2 : i32
    "tpu.region"() ({
      %run_scoped3A = tpu.sem_alloc : memref<!tpu.dma_semaphore, #tpu.memory_space<semaphore_mem>>
      %dma_start3A_70 = arith.constant 0 : i32
      %dma_start3A_71 = tpu.memref_slice %arg11[%dma_start3A_70] : memref<15616xf32, #tpu.memory_space<vmem>> -> memref<7808xf32, #tpu.memory_space<vmem>>
      %dma_start3A_72 = tpu.memref_slice %arg5[%add3A_49] : memref<1000000xf32, #tpu.memory_space<hbm>> -> memref<7808xf32, #tpu.memory_space<hbm>>
      %dma_start3A_73 = tpu.memref_slice %arg5[%add3A_49] : memref<1000000xf32, #tpu.memory_space<hbm>> -> memref<7808xf32, #tpu.memory_space<hbm>>
      %dma_start3A_74 = arith.constant 0 : i32
      %dma_start3A_75 = tpu.memref_slice %arg11[%dma_start3A_74] : memref<15616xf32, #tpu.memory_space<vmem>> -> memref<7808xf32, #tpu.memory_space<vmem>>
      tpu.enqueue_dma source(%dma_start3A_75 : memref<7808xf32, #tpu.memory_space<vmem>>) target(%dma_start3A_73 : memref<7808xf32, #tpu.memory_space<hbm>>) target_semaphore(%run_scoped3A : memref<!tpu.dma_semaphore, #tpu.memory_space<semaphore_mem>>)
      %dma_wait3A_76 = arith.constant 0 : i32
      %dma_wait3A_77 = tpu.memref_slice %arg11[%dma_wait3A_76] : memref<15616xf32, #tpu.memory_space<vmem>> -> memref<7808xf32, #tpu.memory_space<vmem>>
      %dma_wait3A_78 = tpu.memref_slice %arg5[%add3A_49] : memref<1000000xf32, #tpu.memory_space<hbm>> -> memref<7808xf32, #tpu.memory_space<hbm>>
      %dma_wait3A_79 = tpu.memref_slice %arg5[%add3A_49] : memref<1000000xf32, #tpu.memory_space<hbm>> -> memref<7808xf32, #tpu.memory_space<hbm>>
      %dma_wait3A_80 = arith.constant 0 : i32
      %dma_wait3A_81 = tpu.memref_slice %arg11[%dma_wait3A_80] : memref<15616xf32, #tpu.memory_space<vmem>> -> memref<7808xf32, #tpu.memory_space<vmem>>
      tpu.wait_dma2 semaphore(%run_scoped3A : memref<!tpu.dma_semaphore, #tpu.memory_space<semaphore_mem>>) src(%dma_wait3A_81 : memref<7808xf32, #tpu.memory_space<vmem>>) dst(%dma_wait3A_79 : memref<7808xf32, #tpu.memory_space<hbm>>)
      tpu.yield
    }) : () -> ()
    %dma_wait3A_50 = arith.constant 7808 : i32
    %dma_wait3A_51 = tpu.memref_slice %arg10[%dma_wait3A_50] : memref<15616xf32, #tpu.memory_space<vmem>> -> memref<7808xf32, #tpu.memory_space<vmem>>
    %dma_wait3A_52 = arith.constant 7808 : i32
    %dma_wait3A_53 = tpu.memref_slice %arg8[%dma_wait3A_52] : memref<15616xi32, #tpu.memory_space<vmem>> -> memref<7808xi32, #tpu.memory_space<vmem>>
    %dma_wait3A_54 = arith.constant 0 : i32
    %dma_wait3A_55 = tpu.memref_slice %arg4[%dma_wait3A_54] : memref<614400xf32, #tpu.memory_space<hbm>> -> memref<614400xf32, #tpu.memory_space<hbm>>
    tpu.wait_indirect_dma semaphore(%arg13 : memref<!tpu.dma_semaphore, #tpu.memory_space<semaphore_mem>>) src(%dma_wait3A_55 : memref<614400xf32, #tpu.memory_space<hbm>>) dst(%dma_wait3A_51 : memref<7808xf32, #tpu.memory_space<vmem>>)
    %dma_wait3A_56 = arith.constant 7808 : i32
    %dma_wait3A_57 = tpu.memref_slice %arg11[%dma_wait3A_56] : memref<15616xf32, #tpu.memory_space<vmem>> -> memref<7808xf32, #tpu.memory_space<vmem>>
    %dma_wait3A_58 = arith.constant 7808 : i32
    %dma_wait3A_59 = tpu.memref_slice %arg9[%dma_wait3A_58] : memref<15616xi32, #tpu.memory_space<vmem>> -> memref<7808xi32, #tpu.memory_space<vmem>>
    %dma_wait3A_60 = arith.constant 0 : i32
    %dma_wait3A_61 = tpu.memref_slice %arg4[%dma_wait3A_60] : memref<614400xf32, #tpu.memory_space<hbm>> -> memref<614400xf32, #tpu.memory_space<hbm>>
    tpu.wait_indirect_dma semaphore(%arg13 : memref<!tpu.dma_semaphore, #tpu.memory_space<semaphore_mem>>) src(%dma_wait3A_61 : memref<614400xf32, #tpu.memory_space<hbm>>) dst(%dma_wait3A_57 : memref<7808xf32, #tpu.memory_space<vmem>>)
    %add3A_62 = arith.constant 7808 : i32
    %add3A_63 = arith.addi %mul3A_2, %add3A_62 : i32
    "tpu.region"() ({
      %run_scoped3A = tpu.sem_alloc : memref<!tpu.dma_semaphore, #tpu.memory_space<semaphore_mem>>
      %dma_start3A_70 = arith.constant 7808 : i32
      %dma_start3A_71 = tpu.memref_slice %arg10[%dma_start3A_70] : memref<15616xf32, #tpu.memory_space<vmem>> -> memref<7808xf32, #tpu.memory_space<vmem>>
      %dma_start3A_72 = tpu.memref_slice %arg5[%add3A_63] : memref<1000000xf32, #tpu.memory_space<hbm>> -> memref<7808xf32, #tpu.memory_space<hbm>>
      %dma_start3A_73 = tpu.memref_slice %arg5[%add3A_63] : memref<1000000xf32, #tpu.memory_space<hbm>> -> memref<7808xf32, #tpu.memory_space<hbm>>
      %dma_start3A_74 = arith.constant 7808 : i32
      %dma_start3A_75 = tpu.memref_slice %arg10[%dma_start3A_74] : memref<15616xf32, #tpu.memory_space<vmem>> -> memref<7808xf32, #tpu.memory_space<vmem>>
      tpu.enqueue_dma source(%dma_start3A_75 : memref<7808xf32, #tpu.memory_space<vmem>>) target(%dma_start3A_73 : memref<7808xf32, #tpu.memory_space<hbm>>) target_semaphore(%run_scoped3A : memref<!tpu.dma_semaphore, #tpu.memory_space<semaphore_mem>>)
      %dma_wait3A_76 = arith.constant 7808 : i32
      %dma_wait3A_77 = tpu.memref_slice %arg10[%dma_wait3A_76] : memref<15616xf32, #tpu.memory_space<vmem>> -> memref<7808xf32, #tpu.memory_space<vmem>>
      %dma_wait3A_78 = tpu.memref_slice %arg5[%add3A_63] : memref<1000000xf32, #tpu.memory_space<hbm>> -> memref<7808xf32, #tpu.memory_space<hbm>>
      %dma_wait3A_79 = tpu.memref_slice %arg5[%add3A_63] : memref<1000000xf32, #tpu.memory_space<hbm>> -> memref<7808xf32, #tpu.memory_space<hbm>>
      %dma_wait3A_80 = arith.constant 7808 : i32
      %dma_wait3A_81 = tpu.memref_slice %arg10[%dma_wait3A_80] : memref<15616xf32, #tpu.memory_space<vmem>> -> memref<7808xf32, #tpu.memory_space<vmem>>
      tpu.wait_dma2 semaphore(%run_scoped3A : memref<!tpu.dma_semaphore, #tpu.memory_space<semaphore_mem>>) src(%dma_wait3A_81 : memref<7808xf32, #tpu.memory_space<vmem>>) dst(%dma_wait3A_79 : memref<7808xf32, #tpu.memory_space<hbm>>)
      tpu.yield
    }) : () -> ()
    %add3A_64 = arith.constant 500000 : i32
    %add3A_65 = arith.addi %add3A_64, %mul3A_2 : i32
    %add3A_66 = arith.constant 7808 : i32
    %add3A_67 = arith.addi %add3A_65, %add3A_66 : i32
    "tpu.region"() ({
      %run_scoped3A = tpu.sem_alloc : memref<!tpu.dma_semaphore, #tpu.memory_space<semaphore_mem>>
      %dma_start3A_70 = arith.constant 7808 : i32
      %dma_start3A_71 = tpu.memref_slice %arg11[%dma_start3A_70] : memref<15616xf32, #tpu.memory_space<vmem>> -> memref<7808xf32, #tpu.memory_space<vmem>>
      %dma_start3A_72 = tpu.memref_slice %arg5[%add3A_67] : memref<1000000xf32, #tpu.memory_space<hbm>> -> memref<7808xf32, #tpu.memory_space<hbm>>
      %dma_start3A_73 = tpu.memref_slice %arg5[%add3A_67] : memref<1000000xf32, #tpu.memory_space<hbm>> -> memref<7808xf32, #tpu.memory_space<hbm>>
      %dma_start3A_74 = arith.constant 7808 : i32
      %dma_start3A_75 = tpu.memref_slice %arg11[%dma_start3A_74] : memref<15616xf32, #tpu.memory_space<vmem>> -> memref<7808xf32, #tpu.memory_space<vmem>>
      tpu.enqueue_dma source(%dma_start3A_75 : memref<7808xf32, #tpu.memory_space<vmem>>) target(%dma_start3A_73 : memref<7808xf32, #tpu.memory_space<hbm>>) target_semaphore(%run_scoped3A : memref<!tpu.dma_semaphore, #tpu.memory_space<semaphore_mem>>)
      %dma_wait3A_76 = arith.constant 7808 : i32
      %dma_wait3A_77 = tpu.memref_slice %arg11[%dma_wait3A_76] : memref<15616xf32, #tpu.memory_space<vmem>> -> memref<7808xf32, #tpu.memory_space<vmem>>
      %dma_wait3A_78 = tpu.memref_slice %arg5[%add3A_67] : memref<1000000xf32, #tpu.memory_space<hbm>> -> memref<7808xf32, #tpu.memory_space<hbm>>
      %dma_wait3A_79 = tpu.memref_slice %arg5[%add3A_67] : memref<1000000xf32, #tpu.memory_space<hbm>> -> memref<7808xf32, #tpu.memory_space<hbm>>
      %dma_wait3A_80 = arith.constant 7808 : i32
      %dma_wait3A_81 = tpu.memref_slice %arg11[%dma_wait3A_80] : memref<15616xf32, #tpu.memory_space<vmem>> -> memref<7808xf32, #tpu.memory_space<vmem>>
      tpu.wait_dma2 semaphore(%run_scoped3A : memref<!tpu.dma_semaphore, #tpu.memory_space<semaphore_mem>>) src(%dma_wait3A_81 : memref<7808xf32, #tpu.memory_space<vmem>>) dst(%dma_wait3A_79 : memref<7808xf32, #tpu.memory_space<hbm>>)
      tpu.yield
    }) : () -> ()
    %eq3A = arith.constant 31 : i32
    %eq3A_68 = arith.cmpi eq, %add3A, %eq3A : i32
    %convert_element_type3A = arith.extui %eq3A_68 : i1 to i32
    %cond3A = arith.constant 0 : i32
    %cond3A_69 = arith.cmpi ne, %convert_element_type3A, %cond3A : i32
    scf.if %cond3A_69 {
      "tpu.region"() ({
        %run_scoped3A = tpu.sem_alloc : memref<!tpu.dma_semaphore, #tpu.memory_space<semaphore_mem>>
        %dma_start3A_100 = arith.constant 0 : i32
        %dma_start3A_101 = tpu.memref_slice %arg6[%dma_start3A_100] : memref<15616xi32, #tpu.memory_space<vmem>> -> memref<288xi32, #tpu.memory_space<vmem>>
        %dma_start3A_102 = arith.constant 499712 : i32
        %dma_start3A_103 = tpu.memref_slice %arg2[%dma_start3A_102] : memref<500000xi32, #tpu.memory_space<hbm>> -> memref<288xi32, #tpu.memory_space<hbm>>
        %dma_start3A_104 = arith.constant 0 : i32
        %dma_start3A_105 = tpu.memref_slice %arg6[%dma_start3A_104] : memref<15616xi32, #tpu.memory_space<vmem>> -> memref<288xi32, #tpu.memory_space<vmem>>
        %dma_start3A_106 = arith.constant 499712 : i32
        %dma_start3A_107 = tpu.memref_slice %arg2[%dma_start3A_106] : memref<500000xi32, #tpu.memory_space<hbm>> -> memref<288xi32, #tpu.memory_space<hbm>>
        tpu.enqueue_dma source(%dma_start3A_107 : memref<288xi32, #tpu.memory_space<hbm>>) target(%dma_start3A_105 : memref<288xi32, #tpu.memory_space<vmem>>) target_semaphore(%run_scoped3A : memref<!tpu.dma_semaphore, #tpu.memory_space<semaphore_mem>>)
        %dma_wait3A_108 = arith.constant 0 : i32
        %dma_wait3A_109 = tpu.memref_slice %arg6[%dma_wait3A_108] : memref<15616xi32, #tpu.memory_space<vmem>> -> memref<288xi32, #tpu.memory_space<vmem>>
        %dma_wait3A_110 = arith.constant 499712 : i32
        %dma_wait3A_111 = tpu.memref_slice %arg2[%dma_wait3A_110] : memref<500000xi32, #tpu.memory_space<hbm>> -> memref<288xi32, #tpu.memory_space<hbm>>
        %dma_wait3A_112 = arith.constant 0 : i32
        %dma_wait3A_113 = tpu.memref_slice %arg6[%dma_wait3A_112] : memref<15616xi32, #tpu.memory_space<vmem>> -> memref<288xi32, #tpu.memory_space<vmem>>
        %dma_wait3A_114 = arith.constant 499712 : i32
        %dma_wait3A_115 = tpu.memref_slice %arg2[%dma_wait3A_114] : memref<500000xi32, #tpu.memory_space<hbm>> -> memref<288xi32, #tpu.memory_space<hbm>>
        tpu.wait_dma2 semaphore(%run_scoped3A : memref<!tpu.dma_semaphore, #tpu.memory_space<semaphore_mem>>) src(%dma_wait3A_115 : memref<288xi32, #tpu.memory_space<hbm>>) dst(%dma_wait3A_113 : memref<288xi32, #tpu.memory_space<vmem>>)
        tpu.yield
      }) : () -> ()
      "tpu.region"() ({
        %run_scoped3A = tpu.sem_alloc : memref<!tpu.dma_semaphore, #tpu.memory_space<semaphore_mem>>
        %dma_start3A_100 = arith.constant 0 : i32
        %dma_start3A_101 = tpu.memref_slice %arg7[%dma_start3A_100] : memref<15616xi32, #tpu.memory_space<vmem>> -> memref<288xi32, #tpu.memory_space<vmem>>
        %dma_start3A_102 = arith.constant 499712 : i32
        %dma_start3A_103 = tpu.memref_slice %arg3[%dma_start3A_102] : memref<500000xi32, #tpu.memory_space<hbm>> -> memref<288xi32, #tpu.memory_space<hbm>>
        %dma_start3A_104 = arith.constant 0 : i32
        %dma_start3A_105 = tpu.memref_slice %arg7[%dma_start3A_104] : memref<15616xi32, #tpu.memory_space<vmem>> -> memref<288xi32, #tpu.memory_space<vmem>>
        %dma_start3A_106 = arith.constant 499712 : i32
        %dma_start3A_107 = tpu.memref_slice %arg3[%dma_start3A_106] : memref<500000xi32, #tpu.memory_space<hbm>> -> memref<288xi32, #tpu.memory_space<hbm>>
        tpu.enqueue_dma source(%dma_start3A_107 : memref<288xi32, #tpu.memory_space<hbm>>) target(%dma_start3A_105 : memref<288xi32, #tpu.memory_space<vmem>>) target_semaphore(%run_scoped3A : memref<!tpu.dma_semaphore, #tpu.memory_space<semaphore_mem>>)
        %dma_wait3A_108 = arith.constant 0 : i32
        %dma_wait3A_109 = tpu.memref_slice %arg7[%dma_wait3A_108] : memref<15616xi32, #tpu.memory_space<vmem>> -> memref<288xi32, #tpu.memory_space<vmem>>
        %dma_wait3A_110 = arith.constant 499712 : i32
        %dma_wait3A_111 = tpu.memref_slice %arg3[%dma_wait3A_110] : memref<500000xi32, #tpu.memory_space<hbm>> -> memref<288xi32, #tpu.memory_space<hbm>>
        %dma_wait3A_112 = arith.constant 0 : i32
        %dma_wait3A_113 = tpu.memref_slice %arg7[%dma_wait3A_112] : memref<15616xi32, #tpu.memory_space<vmem>> -> memref<288xi32, #tpu.memory_space<vmem>>
        %dma_wait3A_114 = arith.constant 499712 : i32
        %dma_wait3A_115 = tpu.memref_slice %arg3[%dma_wait3A_114] : memref<500000xi32, #tpu.memory_space<hbm>> -> memref<288xi32, #tpu.memory_space<hbm>>
        tpu.wait_dma2 semaphore(%run_scoped3A : memref<!tpu.dma_semaphore, #tpu.memory_space<semaphore_mem>>) src(%dma_wait3A_115 : memref<288xi32, #tpu.memory_space<hbm>>) dst(%dma_wait3A_113 : memref<288xi32, #tpu.memory_space<vmem>>)
        tpu.yield
      }) : () -> ()
      %scan3A_70 = arith.constant 0 : i32
      %scan3A_71 = arith.constant 0 : i32
      %scan3A_72 = arith.constant 18 : i32
      %scan3A_73 = arith.addi %scan3A_71, %scan3A_72 : i32
      %scan3A_74 = arith.constant 1 : i32
      scf.for %scan3A_100 = %scan3A_71 to %scan3A_73 step %scan3A_74  : i32 {
        %add3A_101 = arith.constant 0 : i32
        %add3A_102 = arith.addi %add3A_101, %scan3A_100 : i32
        %mul3A_103 = arith.constant 16 : i32
        %mul3A_104 = arith.muli %add3A_102, %mul3A_103 : i32
        %get3A = arith.index_cast %mul3A_104 : i32 to index
        %get3A_105 = tpu.vector_load %arg6[%get3A] {strides = array<i32>} : memref<15616xi32, #tpu.memory_space<vmem>>, vector<16xi32>,
        %get3A_106 = arith.index_cast %mul3A_104 : i32 to index
        %get3A_107 = tpu.vector_load %arg7[%get3A_106] {strides = array<i32>} : memref<15616xi32, #tpu.memory_space<vmem>>, vector<16xi32>,
        %mul3A_108 = arith.constant 640 : i32
        %mul3A_109 = vector.broadcast %mul3A_108 : i32 to vector<16xi32>
        %mul3A_110 = arith.muli %get3A_107, %mul3A_109 : vector<16xi32>
        %add3A_111 = arith.addi %get3A_105, %mul3A_110 : vector<16xi32>
        %swap3A = arith.index_cast %mul3A_104 : i32 to index
        %swap3A_112 = tpu.vector_load %arg8[%swap3A] {strides = array<i32>} : memref<15616xi32, #tpu.memory_space<vmem>>, vector<16xi32>,
        tpu.vector_store %arg8[%swap3A], %add3A_111 {strides = array<i32>} : memref<15616xi32, #tpu.memory_space<vmem>>, vector<16xi32>,
        %add3A_113 = arith.constant 307200 : i32
        %add3A_114 = vector.broadcast %add3A_113 : i32 to vector<16xi32>
        %add3A_115 = arith.addi %add3A_111, %add3A_114 : vector<16xi32>
        %swap3A_116 = arith.index_cast %mul3A_104 : i32 to index
        %swap3A_117 = tpu.vector_load %arg9[%swap3A_116] {strides = array<i32>} : memref<15616xi32, #tpu.memory_space<vmem>>, vector<16xi32>,
        tpu.vector_store %arg9[%swap3A_116], %add3A_115 {strides = array<i32>} : memref<15616xi32, #tpu.memory_space<vmem>>, vector<16xi32>,
      }
      %scan3A_75 = arith.constant 18 : i32
      %dma_start3A_76 = arith.constant 0 : i32
      %dma_start3A_77 = tpu.memref_slice %arg10[%dma_start3A_76] : memref<15616xf32, #tpu.memory_space<vmem>> -> memref<288xf32, #tpu.memory_space<vmem>>
      %dma_start3A_78 = arith.constant 0 : i32
      %dma_start3A_79 = tpu.memref_slice %arg8[%dma_start3A_78] : memref<15616xi32, #tpu.memory_space<vmem>> -> memref<288xi32, #tpu.memory_space<vmem>>
      %dma_start3A_80 = arith.constant 0 : i32
      %dma_start3A_81 = tpu.memref_slice %arg4[%dma_start3A_80] : memref<614400xf32, #tpu.memory_space<hbm>> -> memref<614400xf32, #tpu.memory_space<hbm>>
      tpu.enqueue_indirect_dma source(%dma_start3A_81 : memref<614400xf32, #tpu.memory_space<hbm>>) target(%dma_start3A_77 : memref<288xf32, #tpu.memory_space<vmem>>) offsets(%dma_start3A_79 : memref<288xi32, #tpu.memory_space<vmem>>) semaphore(%arg12 : memref<!tpu.dma_semaphore, #tpu.memory_space<semaphore_mem>>)
      %dma_start3A_82 = arith.constant 0 : i32
      %dma_start3A_83 = tpu.memref_slice %arg11[%dma_start3A_82] : memref<15616xf32, #tpu.memory_space<vmem>> -> memref<288xf32, #tpu.memory_space<vmem>>
      %dma_start3A_84 = arith.constant 0 : i32
      %dma_start3A_85 = tpu.memref_slice %arg9[%dma_start3A_84] : memref<15616xi32, #tpu.memory_space<vmem>> -> memref<288xi32, #tpu.memory_space<vmem>>
      %dma_start3A_86 = arith.constant 0 : i32
      %dma_start3A_87 = tpu.memref_slice %arg4[%dma_start3A_86] : memref<614400xf32, #tpu.memory_space<hbm>> -> memref<614400xf32, #tpu.memory_space<hbm>>
      tpu.enqueue_indirect_dma source(%dma_start3A_87 : memref<614400xf32, #tpu.memory_space<hbm>>) target(%dma_start3A_83 : memref<288xf32, #tpu.memory_space<vmem>>) offsets(%dma_start3A_85 : memref<288xi32, #tpu.memory_space<vmem>>) semaphore(%arg12 : memref<!tpu.dma_semaphore, #tpu.memory_space<semaphore_mem>>)
      %dma_wait3A_88 = arith.constant 0 : i32
      %dma_wait3A_89 = tpu.memref_slice %arg10[%dma_wait3A_88] : memref<15616xf32, #tpu.memory_space<vmem>> -> memref<288xf32, #tpu.memory_space<vmem>>
      %dma_wait3A_90 = arith.constant 0 : i32
      %dma_wait3A_91 = tpu.memref_slice %arg8[%dma_wait3A_90] : memref<15616xi32, #tpu.memory_space<vmem>> -> memref<288xi32, #tpu.memory_space<vmem>>
      %dma_wait3A_92 = arith.constant 0 : i32
      %dma_wait3A_93 = tpu.memref_slice %arg4[%dma_wait3A_92] : memref<614400xf32, #tpu.memory_space<hbm>> -> memref<614400xf32, #tpu.memory_space<hbm>>
      tpu.wait_indirect_dma semaphore(%arg12 : memref<!tpu.dma_semaphore, #tpu.memory_space<semaphore_mem>>) src(%dma_wait3A_93 : memref<614400xf32, #tpu.memory_space<hbm>>) dst(%dma_wait3A_89 : memref<288xf32, #tpu.memory_space<vmem>>)
      %dma_wait3A_94 = arith.constant 0 : i32
      %dma_wait3A_95 = tpu.memref_slice %arg11[%dma_wait3A_94] : memref<15616xf32, #tpu.memory_space<vmem>> -> memref<288xf32, #tpu.memory_space<vmem>>
      %dma_wait3A_96 = arith.constant 0 : i32
      %dma_wait3A_97 = tpu.memref_slice %arg9[%dma_wait3A_96] : memref<15616xi32, #tpu.memory_space<vmem>> -> memref<288xi32, #tpu.memory_space<vmem>>
      %dma_wait3A_98 = arith.constant 0 : i32
      %dma_wait3A_99 = tpu.memref_slice %arg4[%dma_wait3A_98] : memref<614400xf32, #tpu.memory_space<hbm>> -> memref<614400xf32, #tpu.memory_space<hbm>>
      tpu.wait_indirect_dma semaphore(%arg12 : memref<!tpu.dma_semaphore, #tpu.memory_space<semaphore_mem>>) src(%dma_wait3A_99 : memref<614400xf32, #tpu.memory_space<hbm>>) dst(%dma_wait3A_95 : memref<288xf32, #tpu.memory_space<vmem>>)
      "tpu.region"() ({
        %run_scoped3A = tpu.sem_alloc : memref<!tpu.dma_semaphore, #tpu.memory_space<semaphore_mem>>
        %dma_start3A_100 = arith.constant 0 : i32
        %dma_start3A_101 = tpu.memref_slice %arg10[%dma_start3A_100] : memref<15616xf32, #tpu.memory_space<vmem>> -> memref<288xf32, #tpu.memory_space<vmem>>
        %dma_start3A_102 = arith.constant 499712 : i32
        %dma_start3A_103 = tpu.memref_slice %arg5[%dma_start3A_102] : memref<1000000xf32, #tpu.memory_space<hbm>> -> memref<288xf32, #tpu.memory_space<hbm>>
        %dma_start3A_104 = arith.constant 499712 : i32
        %dma_start3A_105 = tpu.memref_slice %arg5[%dma_start3A_104] : memref<1000000xf32, #tpu.memory_space<hbm>> -> memref<288xf32, #tpu.memory_space<hbm>>
        %dma_start3A_106 = arith.constant 0 : i32
        %dma_start3A_107 = tpu.memref_slice %arg10[%dma_start3A_106] : memref<15616xf32, #tpu.memory_space<vmem>> -> memref<288xf32, #tpu.memory_space<vmem>>
        tpu.enqueue_dma source(%dma_start3A_107 : memref<288xf32, #tpu.memory_space<vmem>>) target(%dma_start3A_105 : memref<288xf32, #tpu.memory_space<hbm>>) target_semaphore(%run_scoped3A : memref<!tpu.dma_semaphore, #tpu.memory_space<semaphore_mem>>)
        %dma_wait3A_108 = arith.constant 0 : i32
        %dma_wait3A_109 = tpu.memref_slice %arg10[%dma_wait3A_108] : memref<15616xf32, #tpu.memory_space<vmem>> -> memref<288xf32, #tpu.memory_space<vmem>>
        %dma_wait3A_110 = arith.constant 499712 : i32
        %dma_wait3A_111 = tpu.memref_slice %arg5[%dma_wait3A_110] : memref<1000000xf32, #tpu.memory_space<hbm>> -> memref<288xf32, #tpu.memory_space<hbm>>
        %dma_wait3A_112 = arith.constant 499712 : i32
        %dma_wait3A_113 = tpu.memref_slice %arg5[%dma_wait3A_112] : memref<1000000xf32, #tpu.memory_space<hbm>> -> memref<288xf32, #tpu.memory_space<hbm>>
        %dma_wait3A_114 = arith.constant 0 : i32
        %dma_wait3A_115 = tpu.memref_slice %arg10[%dma_wait3A_114] : memref<15616xf32, #tpu.memory_space<vmem>> -> memref<288xf32, #tpu.memory_space<vmem>>
        tpu.wait_dma2 semaphore(%run_scoped3A : memref<!tpu.dma_semaphore, #tpu.memory_space<semaphore_mem>>) src(%dma_wait3A_115 : memref<288xf32, #tpu.memory_space<vmem>>) dst(%dma_wait3A_113 : memref<288xf32, #tpu.memory_space<hbm>>)
        tpu.yield
      }) : () -> ()
      "tpu.region"() ({
        %run_scoped3A = tpu.sem_alloc : memref<!tpu.dma_semaphore, #tpu.memory_space<semaphore_mem>>
        %dma_start3A_100 = arith.constant 0 : i32
        %dma_start3A_101 = tpu.memref_slice %arg11[%dma_start3A_100] : memref<15616xf32, #tpu.memory_space<vmem>> -> memref<288xf32, #tpu.memory_space<vmem>>
        %dma_start3A_102 = arith.constant 999712 : i32
        %dma_start3A_103 = tpu.memref_slice %arg5[%dma_start3A_102] : memref<1000000xf32, #tpu.memory_space<hbm>> -> memref<288xf32, #tpu.memory_space<hbm>>
        %dma_start3A_104 = arith.constant 999712 : i32
        %dma_start3A_105 = tpu.memref_slice %arg5[%dma_start3A_104] : memref<1000000xf32, #tpu.memory_space<hbm>> -> memref<288xf32, #tpu.memory_space<hbm>>
        %dma_start3A_106 = arith.constant 0 : i32
        %dma_start3A_107 = tpu.memref_slice %arg11[%dma_start3A_106] : memref<15616xf32, #tpu.memory_space<vmem>> -> memref<288xf32, #tpu.memory_space<vmem>>
        tpu.enqueue_dma source(%dma_start3A_107 : memref<288xf32, #tpu.memory_space<vmem>>) target(%dma_start3A_105 : memref<288xf32, #tpu.memory_space<hbm>>) target_semaphore(%run_scoped3A : memref<!tpu.dma_semaphore, #tpu.memory_space<semaphore_mem>>)
        %dma_wait3A_108 = arith.constant 0 : i32
        %dma_wait3A_109 = tpu.memref_slice %arg11[%dma_wait3A_108] : memref<15616xf32, #tpu.memory_space<vmem>> -> memref<288xf32, #tpu.memory_space<vmem>>
        %dma_wait3A_110 = arith.constant 999712 : i32
        %dma_wait3A_111 = tpu.memref_slice %arg5[%dma_wait3A_110] : memref<1000000xf32, #tpu.memory_space<hbm>> -> memref<288xf32, #tpu.memory_space<hbm>>
        %dma_wait3A_112 = arith.constant 999712 : i32
        %dma_wait3A_113 = tpu.memref_slice %arg5[%dma_wait3A_112] : memref<1000000xf32, #tpu.memory_space<hbm>> -> memref<288xf32, #tpu.memory_space<hbm>>
        %dma_wait3A_114 = arith.constant 0 : i32
        %dma_wait3A_115 = tpu.memref_slice %arg11[%dma_wait3A_114] : memref<15616xf32, #tpu.memory_space<vmem>> -> memref<288xf32, #tpu.memory_space<vmem>>
        tpu.wait_dma2 semaphore(%run_scoped3A : memref<!tpu.dma_semaphore, #tpu.memory_space<semaphore_mem>>) src(%dma_wait3A_115 : memref<288xf32, #tpu.memory_space<vmem>>) dst(%dma_wait3A_113 : memref<288xf32, #tpu.memory_space<hbm>>)
        tpu.yield
      }) : () -> ()
    } else {
    }
    return
  }
}

module attributes {stable_mosaic.version = 14 : i64} {
  func.func @_warp_body(%arg0: memref<2x480x640xf32, #tpu.memory_space<vmem>>, %arg1: memref<2x480x640xf32, #tpu.memory_space<vmem>>) attributes {dimension_semantics = [], scalar_prefetch = 0 : i64, scratch_operands = 0 : i64, tpu.core_type = #tpu.core_type<tc>} {
    %get3A = arith.constant 0 : index
    %get3A_0 = arith.constant 0 : index
    %get3A_1 = arith.constant 0 : index
    %get3A_2 = vector.load %arg0[%get3A, %get3A_0, %get3A_1] : memref<2x480x640xf32, #tpu.memory_space<vmem>>, vector<2x480x640xf32>
    %iota3A = tpu.iota {dimensions = array<i32: 2>} : vector<1x480x640xi32>
    %iota3A_3 = tpu.iota {dimensions = array<i32: 1>} : vector<1x480x640xi32>
    %convert_element_type3A = arith.sitofp %iota3A : vector<1x480x640xi32> to vector<1x480x640xf32>
    %convert_element_type3A_4 = arith.sitofp %iota3A_3 : vector<1x480x640xi32> to vector<1x480x640xf32>
    %mul3A = arith.constant 2.000000e+00 : f32
    %mul3A_5 = vector.broadcast %mul3A : f32 to vector<1x480x640xf32>
    %mul3A_6 = arith.mulf %mul3A_5, %convert_element_type3A : vector<1x480x640xf32>
    %div3A = arith.constant 6.390000e+02 : f32
    %div3A_7 = vector.broadcast %div3A : f32 to vector<1x480x640xf32>
    %div3A_8 = arith.divf %mul3A_6, %div3A_7 : vector<1x480x640xf32>
    %sub3A = arith.constant 1.000000e+00 : f32
    %sub3A_9 = vector.broadcast %sub3A : f32 to vector<1x480x640xf32>
    %sub3A_10 = arith.subf %div3A_8, %sub3A_9 : vector<1x480x640xf32>
    %mul3A_11 = arith.constant 2.000000e+00 : f32
    %mul3A_12 = vector.broadcast %mul3A_11 : f32 to vector<1x480x640xf32>
    %mul3A_13 = arith.mulf %mul3A_12, %convert_element_type3A_4 : vector<1x480x640xf32>
    %div3A_14 = arith.constant 4.790000e+02 : f32
    %div3A_15 = vector.broadcast %div3A_14 : f32 to vector<1x480x640xf32>
    %div3A_16 = arith.divf %mul3A_13, %div3A_15 : vector<1x480x640xf32>
    %sub3A_17 = arith.constant 1.000000e+00 : f32
    %sub3A_18 = vector.broadcast %sub3A_17 : f32 to vector<1x480x640xf32>
    %sub3A_19 = arith.subf %div3A_16, %sub3A_18 : vector<1x480x640xf32>
    %add3A = arith.constant 1.000000e+00 : f32
    %add3A_20 = vector.broadcast %add3A : f32 to vector<1x480x640xf32>
    %add3A_21 = arith.addf %sub3A_10, %add3A_20 : vector<1x480x640xf32>
    %mul3A_22 = arith.constant 6.390000e+02 : f32
    %mul3A_23 = vector.broadcast %mul3A_22 : f32 to vector<1x480x640xf32>
    %mul3A_24 = arith.mulf %add3A_21, %mul3A_23 : vector<1x480x640xf32>
    %div3A_25 = arith.constant 2.000000e+00 : f32
    %div3A_26 = vector.broadcast %div3A_25 : f32 to vector<1x480x640xf32>
    %div3A_27 = arith.divf %mul3A_24, %div3A_26 : vector<1x480x640xf32>
    %add3A_28 = arith.constant 1.000000e+00 : f32
    %add3A_29 = vector.broadcast %add3A_28 : f32 to vector<1x480x640xf32>
    %add3A_30 = arith.addf %sub3A_19, %add3A_29 : vector<1x480x640xf32>
    %mul3A_31 = arith.constant 4.790000e+02 : f32
    %mul3A_32 = vector.broadcast %mul3A_31 : f32 to vector<1x480x640xf32>
    %mul3A_33 = arith.mulf %add3A_30, %mul3A_32 : vector<1x480x640xf32>
    %div3A_34 = arith.constant 2.000000e+00 : f32
    %div3A_35 = vector.broadcast %div3A_34 : f32 to vector<1x480x640xf32>
    %div3A_36 = arith.divf %mul3A_33, %div3A_35 : vector<1x480x640xf32>
    %floor3A = math.floor %div3A_27 : vector<1x480x640xf32>
    %floor3A_37 = math.floor %div3A_36 : vector<1x480x640xf32>
    %sub3A_38 = arith.subf %div3A_27, %floor3A : vector<1x480x640xf32>
    %sub3A_39 = arith.subf %div3A_36, %floor3A_37 : vector<1x480x640xf32>
    %convert_element_type3A_40 = arith.fptosi %floor3A : vector<1x480x640xf32> to vector<1x480x640xi32>
    %jit3A = arith.constant 0 : i32
    %jit3A_41 = arith.constant 639 : i32
    %max3A = vector.broadcast %jit3A : i32 to vector<1x480x640xi32>
    %max3A_42 = arith.maxsi %max3A, %convert_element_type3A_40 : vector<1x480x640xi32>
    %min3A = vector.broadcast %jit3A_41 : i32 to vector<1x480x640xi32>
    %min3A_43 = arith.minsi %min3A, %max3A_42 : vector<1x480x640xi32>
    %add3A_44 = arith.constant 1 : i32
    %add3A_45 = vector.broadcast %add3A_44 : i32 to vector<1x480x640xi32>
    %add3A_46 = arith.addi %min3A_43, %add3A_45 : vector<1x480x640xi32>
    %jit3A_47 = arith.constant 0 : i32
    %jit3A_48 = arith.constant 639 : i32
    %max3A_49 = vector.broadcast %jit3A_47 : i32 to vector<1x480x640xi32>
    %max3A_50 = arith.maxsi %max3A_49, %add3A_46 : vector<1x480x640xi32>
    %min3A_51 = vector.broadcast %jit3A_48 : i32 to vector<1x480x640xi32>
    %min3A_52 = arith.minsi %min3A_51, %max3A_50 : vector<1x480x640xi32>
    %convert_element_type3A_53 = arith.fptosi %floor3A_37 : vector<1x480x640xf32> to vector<1x480x640xi32>
    %jit3A_54 = arith.constant 0 : i32
    %jit3A_55 = arith.constant 479 : i32
    %max3A_56 = vector.broadcast %jit3A_54 : i32 to vector<1x480x640xi32>
    %max3A_57 = arith.maxsi %max3A_56, %convert_element_type3A_53 : vector<1x480x640xi32>
    %min3A_58 = vector.broadcast %jit3A_55 : i32 to vector<1x480x640xi32>
    %min3A_59 = arith.minsi %min3A_58, %max3A_57 : vector<1x480x640xi32>
    %add3A_60 = arith.constant 1 : i32
    %add3A_61 = vector.broadcast %add3A_60 : i32 to vector<1x480x640xi32>
    %add3A_62 = arith.addi %min3A_59, %add3A_61 : vector<1x480x640xi32>
    %jit3A_63 = arith.constant 0 : i32
    %jit3A_64 = arith.constant 479 : i32
    %max3A_65 = vector.broadcast %jit3A_63 : i32 to vector<1x480x640xi32>
    %max3A_66 = arith.maxsi %max3A_65, %add3A_62 : vector<1x480x640xi32>
    %min3A_67 = vector.broadcast %jit3A_64 : i32 to vector<1x480x640xi32>
    %min3A_68 = arith.minsi %min3A_67, %max3A_66 : vector<1x480x640xi32>
    %slice3A = vector.extract_strided_slice %get3A_2 {offsets = [0, 0, 0], sizes = [2, 480, 1], strides = [1, 1, 1]} : vector<2x480x640xf32> to vector<2x480x1xf32>
    %slice3A_69 = vector.extract_strided_slice %get3A_2 {offsets = [0, 0, 0], sizes = [2, 480, 639], strides = [1, 1, 1]} : vector<2x480x640xf32> to vector<2x480x639xf32>
    %concatenate3A = tpu.concatenate %slice3A, %slice3A_69 in 2 : vector<2x480x1xf32>, vector<2x480x639xf32> -> vector<2x480x640xf32>
    %slice3A_70 = vector.extract_strided_slice %get3A_2 {offsets = [0, 0, 1], sizes = [2, 480, 639], strides = [1, 1, 1]} : vector<2x480x640xf32> to vector<2x480x639xf32>
    %slice3A_71 = vector.extract_strided_slice %get3A_2 {offsets = [0, 0, 639], sizes = [2, 480, 1], strides = [1, 1, 1]} : vector<2x480x640xf32> to vector<2x480x1xf32>
    %concatenate3A_72 = tpu.concatenate %slice3A_70, %slice3A_71 in 2 : vector<2x480x639xf32>, vector<2x480x1xf32> -> vector<2x480x640xf32>
    %eq3A = arith.cmpi eq, %min3A_43, %iota3A : vector<1x480x640xi32>
    %broadcast_in_dim3A = vector.shape_cast %eq3A : vector<1x480x640xi1> to vector<1x480x640xi1>
    %broadcast_in_dim3A_73 = vector.broadcast %broadcast_in_dim3A : vector<1x480x640xi1> to vector<2x480x640xi1>
    %select_n3A = arith.select %broadcast_in_dim3A_73, %get3A_2, %concatenate3A : vector<2x480x640xi1>, vector<2x480x640xf32>
    %eq3A_74 = arith.cmpi eq, %min3A_52, %iota3A : vector<1x480x640xi32>
    %broadcast_in_dim3A_75 = vector.shape_cast %eq3A_74 : vector<1x480x640xi1> to vector<1x480x640xi1>
    %broadcast_in_dim3A_76 = vector.broadcast %broadcast_in_dim3A_75 : vector<1x480x640xi1> to vector<2x480x640xi1>
    %select_n3A_77 = arith.select %broadcast_in_dim3A_76, %get3A_2, %concatenate3A_72 : vector<2x480x640xi1>, vector<2x480x640xf32>
    %slice3A_78 = vector.extract_strided_slice %select_n3A {offsets = [0, 0, 0], sizes = [2, 1, 640], strides = [1, 1, 1]} : vector<2x480x640xf32> to vector<2x1x640xf32>
    %slice3A_79 = vector.extract_strided_slice %select_n3A {offsets = [0, 0, 0], sizes = [2, 479, 640], strides = [1, 1, 1]} : vector<2x480x640xf32> to vector<2x479x640xf32>
    %concatenate3A_80 = tpu.concatenate %slice3A_78, %slice3A_79 in 1 : vector<2x1x640xf32>, vector<2x479x640xf32> -> vector<2x480x640xf32>
    %slice3A_81 = vector.extract_strided_slice %select_n3A {offsets = [0, 1, 0], sizes = [2, 479, 640], strides = [1, 1, 1]} : vector<2x480x640xf32> to vector<2x479x640xf32>
    %slice3A_82 = vector.extract_strided_slice %select_n3A {offsets = [0, 479, 0], sizes = [2, 1, 640], strides = [1, 1, 1]} : vector<2x480x640xf32> to vector<2x1x640xf32>
    %concatenate3A_83 = tpu.concatenate %slice3A_81, %slice3A_82 in 1 : vector<2x479x640xf32>, vector<2x1x640xf32> -> vector<2x480x640xf32>
    %slice3A_84 = vector.extract_strided_slice %select_n3A_77 {offsets = [0, 0, 0], sizes = [2, 1, 640], strides = [1, 1, 1]} : vector<2x480x640xf32> to vector<2x1x640xf32>
    %slice3A_85 = vector.extract_strided_slice %select_n3A_77 {offsets = [0, 0, 0], sizes = [2, 479, 640], strides = [1, 1, 1]} : vector<2x480x640xf32> to vector<2x479x640xf32>
    %concatenate3A_86 = tpu.concatenate %slice3A_84, %slice3A_85 in 1 : vector<2x1x640xf32>, vector<2x479x640xf32> -> vector<2x480x640xf32>
    %slice3A_87 = vector.extract_strided_slice %select_n3A_77 {offsets = [0, 1, 0], sizes = [2, 479, 640], strides = [1, 1, 1]} : vector<2x480x640xf32> to vector<2x479x640xf32>
    %slice3A_88 = vector.extract_strided_slice %select_n3A_77 {offsets = [0, 479, 0], sizes = [2, 1, 640], strides = [1, 1, 1]} : vector<2x480x640xf32> to vector<2x1x640xf32>
    %concatenate3A_89 = tpu.concatenate %slice3A_87, %slice3A_88 in 1 : vector<2x479x640xf32>, vector<2x1x640xf32> -> vector<2x480x640xf32>
    %eq3A_90 = arith.cmpi eq, %min3A_59, %iota3A_3 : vector<1x480x640xi32>
    %eq3A_91 = arith.cmpi eq, %min3A_68, %iota3A_3 : vector<1x480x640xi32>
    %broadcast_in_dim3A_92 = vector.shape_cast %eq3A_90 : vector<1x480x640xi1> to vector<1x480x640xi1>
    %broadcast_in_dim3A_93 = vector.broadcast %broadcast_in_dim3A_92 : vector<1x480x640xi1> to vector<2x480x640xi1>
    %select_n3A_94 = arith.select %broadcast_in_dim3A_93, %select_n3A, %concatenate3A_80 : vector<2x480x640xi1>, vector<2x480x640xf32>
    %broadcast_in_dim3A_95 = vector.shape_cast %eq3A_90 : vector<1x480x640xi1> to vector<1x480x640xi1>
    %broadcast_in_dim3A_96 = vector.broadcast %broadcast_in_dim3A_95 : vector<1x480x640xi1> to vector<2x480x640xi1>
    %select_n3A_97 = arith.select %broadcast_in_dim3A_96, %select_n3A_77, %concatenate3A_86 : vector<2x480x640xi1>, vector<2x480x640xf32>
    %broadcast_in_dim3A_98 = vector.shape_cast %eq3A_91 : vector<1x480x640xi1> to vector<1x480x640xi1>
    %broadcast_in_dim3A_99 = vector.broadcast %broadcast_in_dim3A_98 : vector<1x480x640xi1> to vector<2x480x640xi1>
    %select_n3A_100 = arith.select %broadcast_in_dim3A_99, %select_n3A, %concatenate3A_83 : vector<2x480x640xi1>, vector<2x480x640xf32>
    %broadcast_in_dim3A_101 = vector.shape_cast %eq3A_91 : vector<1x480x640xi1> to vector<1x480x640xi1>
    %broadcast_in_dim3A_102 = vector.broadcast %broadcast_in_dim3A_101 : vector<1x480x640xi1> to vector<2x480x640xi1>
    %select_n3A_103 = arith.select %broadcast_in_dim3A_102, %select_n3A_77, %concatenate3A_89 : vector<2x480x640xi1>, vector<2x480x640xf32>
    %sub3A_104 = arith.constant 1.000000e+00 : f32
    %sub3A_105 = vector.broadcast %sub3A_104 : f32 to vector<1x480x640xf32>
    %sub3A_106 = arith.subf %sub3A_105, %sub3A_39 : vector<1x480x640xf32>
    %mul3A_107 = vector.broadcast %sub3A_106 : vector<1x480x640xf32> to vector<2x480x640xf32>
    %mul3A_108 = arith.mulf %select_n3A_94, %mul3A_107 : vector<2x480x640xf32>
    %sub3A_109 = arith.constant 1.000000e+00 : f32
    %sub3A_110 = vector.broadcast %sub3A_109 : f32 to vector<1x480x640xf32>
    %sub3A_111 = arith.subf %sub3A_110, %sub3A_38 : vector<1x480x640xf32>
    %mul3A_112 = vector.broadcast %sub3A_111 : vector<1x480x640xf32> to vector<2x480x640xf32>
    %mul3A_113 = arith.mulf %mul3A_108, %mul3A_112 : vector<2x480x640xf32>
    %sub3A_114 = arith.constant 1.000000e+00 : f32
    %sub3A_115 = vector.broadcast %sub3A_114 : f32 to vector<1x480x640xf32>
    %sub3A_116 = arith.subf %sub3A_115, %sub3A_39 : vector<1x480x640xf32>
    %mul3A_117 = vector.broadcast %sub3A_116 : vector<1x480x640xf32> to vector<2x480x640xf32>
    %mul3A_118 = arith.mulf %select_n3A_97, %mul3A_117 : vector<2x480x640xf32>
    %mul3A_119 = vector.broadcast %sub3A_38 : vector<1x480x640xf32> to vector<2x480x640xf32>
    %mul3A_120 = arith.mulf %mul3A_118, %mul3A_119 : vector<2x480x640xf32>
    %add3A_121 = arith.addf %mul3A_113, %mul3A_120 : vector<2x480x640xf32>
    %mul3A_122 = vector.broadcast %sub3A_39 : vector<1x480x640xf32> to vector<2x480x640xf32>
    %mul3A_123 = arith.mulf %select_n3A_100, %mul3A_122 : vector<2x480x640xf32>
    %sub3A_124 = arith.constant 1.000000e+00 : f32
    %sub3A_125 = vector.broadcast %sub3A_124 : f32 to vector<1x480x640xf32>
    %sub3A_126 = arith.subf %sub3A_125, %sub3A_38 : vector<1x480x640xf32>
    %mul3A_127 = vector.broadcast %sub3A_126 : vector<1x480x640xf32> to vector<2x480x640xf32>
    %mul3A_128 = arith.mulf %mul3A_123, %mul3A_127 : vector<2x480x640xf32>
    %add3A_129 = arith.addf %add3A_121, %mul3A_128 : vector<2x480x640xf32>
    %mul3A_130 = vector.broadcast %sub3A_39 : vector<1x480x640xf32> to vector<2x480x640xf32>
    %mul3A_131 = arith.mulf %select_n3A_103, %mul3A_130 : vector<2x480x640xf32>
    %mul3A_132 = vector.broadcast %sub3A_38 : vector<1x480x640xf32> to vector<2x480x640xf32>
    %mul3A_133 = arith.mulf %mul3A_131, %mul3A_132 : vector<2x480x640xf32>
    %add3A_134 = arith.addf %add3A_129, %mul3A_133 : vector<2x480x640xf32>
    %concatenate3A_135 = tpu.concatenate %convert_element_type3A, %convert_element_type3A_4 in 0 : vector<1x480x640xf32>, vector<1x480x640xf32> -> vector<2x480x640xf32>
    %mul3A_136 = arith.constant 1.280000e+02 : f32
    %mul3A_137 = vector.broadcast %mul3A_136 : f32 to vector<2x480x640xf32>
    %mul3A_138 = arith.mulf %add3A_134, %mul3A_137 : vector<2x480x640xf32>
    %add3A_139 = arith.addf %concatenate3A_135, %mul3A_138 : vector<2x480x640xf32>
    %sub3A_140 = arith.subf %add3A_139, %concatenate3A_135 : vector<2x480x640xf32>
    %swap3A = arith.constant 0 : index
    %swap3A_141 = arith.constant 0 : index
    %swap3A_142 = arith.constant 0 : index
    %swap3A_143 = vector.load %arg1[%swap3A, %swap3A_141, %swap3A_142] : memref<2x480x640xf32, #tpu.memory_space<vmem>>, vector<2x480x640xf32>
    tpu.vector_store %arg1[%swap3A, %swap3A_141, %swap3A_142], %sub3A_140 {strides = array<i32>} : memref<2x480x640xf32, #tpu.memory_space<vmem>>, vector<2x480x640xf32>,
    return
  }
}

</mosaic_0001>

<sc_bundles>
// kernel: kernel.4.cloned.1.call-start
scs
__scs_entry_jumppad:
0x0: {  	(pc) =	sbr.rel $0x88, $3  }
0x1: {  	(tag) =	ssettag $0x0;
	lr =	simm.s32 $0x1  }
0x2: {  	[smem:$0x3F9F] =	sst lr;
	_ =	strace $0xD0000000  }
0x3: {  	_ = 	snop  }
0x4: {  	_ = 	snop  }
0x5: {  	_ = 	snop  }
0x6: {  	_ = 	snop  }
0x7: {  	_ = 	snop  }
__scs_overlays_trampoline_lowered:
0x8: {  	[smem:$0x3FAE] =	sst s0  }
0x9: {  	[smem:$0x3FAF] =	sst s1  }
0xa: {  	[smem:$0x3FB0] =	sst s2  }
0xb: {  	[smem:$0x3FB1] =	sst s3  }
0xc: {  	[smem:$0x3FB2] =	sst s4  }
0xd: {  	[smem:$0x3FB3] =	sst s5  }
0xe: {  	[smem:$0x3FB4] =	sst s6  }
0xf: {  	[smem:$0x3FB5] =	sst s7  }
0x10: {  	[smem:$0x3FB6] =	sst s8  }
0x11: {  	[smem:$0x3FB7] =	sst s9;
	s0 =	simm.s32 @!p0 $0x0  }
0x12: {  	s1 =	sld [smem:$0x3F9D];
	s0 =	simm.s32 @p0 $0x1  }
0x13: {  	[smem:$0x3FB8] =	sst s0;
	s0 =	simm.s32 @!p1 $0x0  }
0x14: {  	s2 =	sld [smem:$0x3F9C];
	s0 =	simm.s32 @p1 $0x1  }
0x15: {  	[smem:$0x3FB9] =	sst s0;
	s0 =	simm.s32 @!p2 $0x0  }
0x16: {  	s3 =	sld [smem:$0x3FDB];
	s0 =	simm.s32 @p2 $0x1  }
0x17: {  	s4 =	simm.s32 $0x1BF5;
	[smem:$0x3FBB] =	sst s0  }
0x18: {  	s0 =	sld [smem:$0x3F9E];
	_ =	swait.ge [sflag:s4], $0x0  }
0x19: {  	s7 =	sld [smem:$0x3F9F]  }
0x1a: {  	s8 =	sadd.s32 $0xFFFFE003, lr  }
0x1b: {  	s9 =	sadd.s32 $0xFFFFFEF7, lr;
	s5 =	simm.s32 $0xFFFFFFFF;
	p2 =	slt.u32 s8, $0xFFFFF086  }
0x1c: {  	p1 =	slt.u32 s9, $0xF7A;
	s5 =	simm.s32 @!p2 $0x0  }
0x1d: {  	s5 =	simm.s32 @p1 $0x1;
	p0 =	seq.s32 s7, s2  }
0x1e: {  	s7 =	smul.u32 @!p0 $0xF7A, s2;
	p2 =	seq.s32 @!p0 s5, $0x0  }
0x1f: {  	s9 =	smul.u32 $0xF7A, s1;
	s8 =	simm.s32 @!p0 $0x1BF5;
	p2 =	por !p2, p0  }
0x20: {  	[sflag:s8] =	ssyncset.s32 @!p0 $0xFFFFF086;
	s6 =	sadd.s32 @!p0 s3, s7;
	s7 =	simm.s32 @!p0 $0x108  }
0x21: {  	s3 =	sadd.s32 s3, s9;
	s6 =	sadd.s32 @!p0 $0x88, s6;
	s7 =	simm.s32 @p2 $0x1082  }
0x22: {  	[simem:s7], [sflag:s8] =	dma.local @!p0 [hbm:s6], $0xF7A  }
0x23: {  	s9 =	sor.u32 $0xD0000000, s2;
	s6 =	simm.s32 $0x108;
	_ =	swait.ge @!p0 [sflag:s8], $0x0  }
0x24: {  	s3 =	sadd.s32 $0x88, s3;
	s6 =	simm.s32 @!p1 $0x1082;
	[sflag:s4] =	ssyncset.s32 $0xFFFFF086  }
0x25: {  	[simem:s6], [sflag:s4] =	dma.local [hbm:s3], $0xF7A  }
0x26: {  	[smem:$0x3F9F] =	sst s1;
	(tag) =	ssettag s2;
	_ =	strace s9  }
0x27: {  	s1 =	sld [smem:$0x3FAF]  }
0x28: {  	s2 =	sld [smem:$0x3FB0]  }
0x29: {  	s4 =	sld [smem:$0x3FB2]  }
0x2a: {  	p0 =	seq.s32 s5, $0x0;
	s5 =	sld [smem:$0x3FB3]  }
0x2b: {  	s6 =	sld [smem:$0x3FB4]  }
0x2c: {  	s7 =	sld [smem:$0x3FB5]  }
0x2d: {  	s3 =	simm.s32 $0x108;
	s8 =	sld [smem:$0x3FB6]  }
0x2e: {  	s3 =	simm.s32 @!p0 $0x1082;
	s9 =	sld [smem:$0x3FB7]  }
0x2f: {  	lr =	sadd.s32 s0, s3;
	s0 =	sld [smem:$0x3FAE]  }
0x30: {  	s3 =	sld [smem:$0x3FB1]  }
0x31: {  	[smem:$0x3FBA] =	sst s10  }
0x32: {  	s10 =	sld [smem:$0x3FB8];
	_ =	sdelay $0x3  }
0x33: {  	p0 =	seq.s32 s10, $0x1;
	s10 =	sld [smem:$0x3FBA];
	_ =	sdelay $0x3  }
0x34: {  	[smem:$0x3FBA] =	sst s10  }
0x35: {  	s10 =	sld [smem:$0x3FB9];
	_ =	sdelay $0x3  }
0x36: {  	p1 =	seq.s32 s10, $0x1;
	s10 =	sld [smem:$0x3FBA];
	_ =	sdelay $0x3  }
0x37: {  	[smem:$0x3FBA] =	sst s10  }
0x38: {  	s10 =	sld [smem:$0x3FBB]  }
0x39: {  	_ = 	snop;
	(pc) =	sbr.ind lr, $3  }
0x3a: {  	_ = 	snop  }
0x3b: {  	_ = 	snop  }
0x3c: {  	p2 =	seq.s32 s10, $0x1;
	s10 =	sld [smem:$0x3FBA]  }
0x3d: {  	_ =	shalt  }
0x3e: {  	_ =	shalt  }
0x3f: {  	_ =	shalt  }
0x40: {  	_ =	shalt  }
0x41: {  	_ =	shalt  }
0x42: {  	_ =	shalt  }
0x43: {  	_ =	shalt  }
0x44: {  	_ =	shalt  }
0x45: {  	_ =	shalt  }
0x46: {  	_ =	shalt  }
0x47: {  	_ =	shalt  }
0x48: {  	_ =	shalt  }
0x49: {  	_ =	shalt  }
0x4a: {  	_ =	shalt  }
0x4b: {  	_ =	shalt  }
0x4c: {  	_ =	shalt  }
0x4d: {  	_ =	shalt  }
0x4e: {  	_ =	shalt  }
0x4f: {  	_ =	shalt  }
0x50: {  	_ =	shalt  }
0x51: {  	_ =	shalt  }
0x52: {  	_ =	shalt  }
0x53: {  	_ =	shalt  }
0x54: {  	_ =	shalt  }
0x55: {  	_ =	shalt  }
0x56: {  	_ =	shalt  }
0x57: {  	_ =	shalt  }
0x58: {  	_ =	shalt  }
0x59: {  	_ =	shalt  }
0x5a: {  	_ =	shalt  }
0x5b: {  	_ =	shalt  }
0x5c: {  	_ =	shalt  }
0x5d: {  	_ =	shalt  }
0x5e: {  	_ =	shalt  }
0x5f: {  	_ =	shalt  }
0x60: {  	_ =	shalt  }
0x61: {  	_ =	shalt  }
0x62: {  	_ =	shalt  }
0x63: {  	_ =	shalt  }
0x64: {  	_ =	shalt  }
0x65: {  	_ =	shalt  }
0x66: {  	_ =	shalt  }
0x67: {  	_ =	shalt  }
0x68: {  	_ =	shalt  }
0x69: {  	_ =	shalt  }
0x6a: {  	_ =	shalt  }
0x6b: {  	_ =	shalt  }
0x6c: {  	_ =	shalt  }
0x6d: {  	_ =	shalt  }
0x6e: {  	_ =	shalt  }
0x6f: {  	_ =	shalt  }
0x70: {  	_ =	shalt  }
0x71: {  	_ =	shalt  }
0x72: {  	_ =	shalt  }
0x73: {  	_ =	shalt  }
0x74: {  	_ =	shalt  }
0x75: {  	_ =	shalt  }
0x76: {  	_ =	shalt  }
0x77: {  	_ =	shalt  }
0x78: {  	_ =	shalt  }
0x79: {  	_ =	shalt  }
0x7a: {  	_ =	shalt  }
0x7b: {  	_ =	shalt  }
0x7c: {  	_ =	shalt  }
0x7d: {  	_ =	shalt  }
0x7e: {  	_ =	shalt  }
0x7f: {  	_ =	shalt  }
0x80: {  	_ =	shalt  }
0x81: {  	_ =	shalt  }
0x82: {  	_ =	shalt  }
0x83: {  	_ =	shalt  }
0x84: {  	_ =	shalt  }
0x85: {  	_ =	shalt  }
0x86: {  	_ =	shalt  }
0x87: {  	_ =	shalt  }
.Lfunc_end0:
.L_simem_size_0:
called_computation_lowered:
.L_overlay_start_0:
0x88: {  	s2 =	sld [smem:$0x3FD9]  }
0x89: {  	s3 =	sld [smem:$0x3FFE];
	_ =	sdelay $0x1  }
0x8a: {  	s1 =	srdreg.scid  }
0x8b: {  	s0 =	sand.u32 $0x1, s1  }
0x8c: {  	s14 =	sshll.u32 s0, $0xA;
	s2 =	sadd.s32 s3, s2  }
0x8d: {  	s2 =	sadd.s32 s2, s14  }
0x8e: {  	[smem:$0x3FC6] =	sst s2  }
0x8f: {  	_ = 	snop  }
0x90: {  	s2 =	sld [smem:$0x3FD0];
	_ =	sdelay $0x2  }
0x91: {  	s15 =	simm.s32 $0xA;
	s4 =	simm.s32 $0x10  }
0x92: {  	[smem:s4], [sflag:s15] =	dma.local [hbm:s2], $0x1  }
0x93: {  	_ =	swait.eq [sflag:s15], $0x1  }
0x94: {  	[sflag:s15] =	ssyncset.done $0x0  }
0x95: {  	[sflag:s15] =	ssyncadd.s32 $0xFFFFFFFF  }
0x96: {  	s16 =	sld [smem:$0x10];
	(tm) =	ssettm $0x1  }
0x97: {  	s17 =	sld [smem:$0x3FFB];
	_ =	sdelay $0x3  }
0x98: {  	_ =	strace s17  }
0x99: {  	s3 =	sld [smem:$0x3FFC];
	_ =	sdelay $0x3  }
0x9a: {  	_ =	strace s3  }
0x9b: {  	s3 =	sld [smem:$0x3FFD];
	_ =	sdelay $0x3  }
0x9c: {  	_ =	strace s3  }
0x9d: {  	_ =	strace $0x8FFFFFFF  }
0x9e: {  	s18 =	sld [smem:$0x3FDB];
	_ =	sdelay $0x1  }
0x9f: {  	s19 =	simm.s32 $_scs_section_size  }
0xa0: {  	s5 =	simm.s32 $_size__tile_overlayer_lowered;
	s6 =	simm.s32 $_tile_overlayer_lowered  }
0xa1: {  	s22 =	simm.s32 $0x1BFF;
	s21 =	sshll.u32 s6, $0x1;
	s3 =	sadd.s32 s19, s18  }
0xa2: {  	s7 =	simm.s32 $0x0;
	s20 =	sshll.u32 s5, $0x1;
	s5 =	sadd.s32 s21, s3  }
0xa3: {  	[timem:s7], [sflag:s22] =	dma.local [hbm:s5], s20  }
0xa4: {  	_ =	swait.ge [sflag:s22], s20  }
0xa5: {  	s4 =	ssub.s32 $0x0, s20;
	[sflag:s22] =	ssyncset.done $0x0  }
0xa6: {  	[sflag:s22] =	ssyncadd.s32 s4;
	_ =	sdelay $0x1  }
0xa7: {  	s23 =	simm.s32 $0x1B8B  }
0xa8: {  	_ =	swait.ge [sflag:s23], $0x1  }
0xa9: {  	[sflag:s23] =	ssyncset.done $0x0  }
0xaa: {  	s25 =	simm.s32 $0x1B8E;
	s24 =	sld [smem:$0x3FFE];
	[sflag:s23] =	ssyncadd.s32 $0xFFFFFFFF  }
0xab: {  	s26 =	simm.s32 $execute0_lowered;
	[smem:$0x3FD2] =	sst s25  }
0xac: {  	s5 =	sshll.u32 s26, $0x1;
	_ =	strace $0x80000046;
	[dreg:$0x1] =	wrdreg $0xFFFFFFFF  }
0xad: {  	s28 =	simm.s32 $_size_execute0_lowered;
	s3 =	sadd.s32 s3, s5;
	[dreg:$0x0] =	wrdreg $0x0  }
0xae: {  	s5 =	sshll.u32 s28, $0x1;
	[dreg:$0x2] =	wrdreg s3  }
0xaf: {  	[dreg:$0x3] =	wrdreg s5  }
0xb0: {  	[dreg:$0x4] =	wrdreg $0xC0  }
0xb1: {  	_ =	task [dreg:s7], $0x5FFFF  }
0xb2: {  	[dreg:$0x1] =	wrdreg $0xFFFFFFFF  }
0xb3: {  	[dreg:$0x0] =	wrdreg $0x60  }
0xb4: {  	[dreg:$0x2] =	wrdreg s24  }
0xb5: {  	[dreg:$0x3] =	wrdreg s16  }
0xb6: {  	[dreg:$0x4] =	wrdreg $0x9  }
0xb7: {  	_ =	task.clear_ibuf [dreg:s7], $0x5FFFF;
	_ =	strace $0x90000046  }
0xb8: {  	s29 =	simm.s32 $0x9;
	_ =	strace $0x80000048  }
0xb9: {  	_ =	swait.ge [sflag:s29], $0x1  }
0xba: {  	[sflag:s29] =	ssyncadd.s32 $0xFFFFFFFF  }
0xbb: {  	_ =	strace $0x90000048  }
0xbc: {  	_ =	sfence  }
0xbd: {  	s30 =	sld [smem:$0x0];
	_ =	sdelay $0x2  }
0xbe: {  	s31 =	sshll.u32 s1, $0xD;
	s1 =	sshrl.u32 s1, $0x2  }
0xbf: {  	s3 =	sand.u32 $0x4000, s31;
	s1 =	sadd.s32 s1, s30  }
0xc0: {  	s0 =	sor.u32 s3, s0;
	s1 =	sshll.u32 s1, $0x11  }
0xc1: {  	s0 =	sor.u32 s1, s0  }
0xc2: {  	s0 =	sadd.s32 $0x8F2B, s0  }
0xc3: {  	[sflag:s0] =	ssyncadd.remote.s32 $0x1  }
0xc4: {  	_ =	sfence.sel $0xFFFF  }
0xc5: {  	[dreg:$0x0] =	wrdreg $0xFFFFFFFF;
	(pc) =	sbr.abs _section_cstart, $3  }
0xc6: {  	[dreg:$0x1] =	wrdreg $0xFFFFFFFF  }
0xc7: {  	_ =	task.clear_ibuf [dreg:s7], $0x2FFFF;
	_ =	strace $0x9FFFFFFF  }
0xc8: {  	(tm) =	ssettm $0x7FFFFFFF  }
0xc9: {  	_ =	shalt  }
tec
execute0_lowered:
.L_overlay_start_1:
0x0: {  	(tag) =	ssettag $0x1  }
0x1: {  	s1 =	srdreg.scid  }
0x2: {  	s0 =	stileid.u32;
	s13 =	rddreg [dreg:$0x0];
	s3 =	simm.s32 $0x0  }
0x3: {  	s15 =	simm.s32 $0x3;
	s16 =	simm.s32 $0x3D00;
	s17 =	simm.s32 $0x1E80  }
0x4: {  	s18 =	simm.s32 $0x7A00;
	s19 =	simm.s32 $0xF400;
	s20 =	simm.s32 $0xB700  }
0x5: {  	s21 =	simm.s32 $0x13100;
	s23 =	simm.s32 $0x11280;
	s24 =	simm.s32 $0xD580  }
0x6: {  	s25 =	simm.s32 $0x14F80;
	s26 =	simm.s32 $0x1;
	s28 =	simm.s32 $0x2  }
0x7: {  	s29 =	simm.s32 $0x120;
	s30 =	simm.s32 $0x0;
	s1 =	sand.u32 $0x1, s1  }
0x8: {  	s2 =	sshll.u32 s0, $0x1;
	[smem:$0x7FF] =	sst s3;
	s10 =	sadd.s32 $0x1EA00, s13  }
0x9: {  	s11 =	sadd.s32 $0xF400, s13;
	s12 =	sadd.s32 $0x2E000, s13;
	s22 =	sor.u32 s1, s2  }
0xa: {  	s2 =	rddreg [dreg:$0x1];
	s1 =	ssub.s32 $0x2, s1;
	s4 =	smul.u32 $0x3D00, s22  }
.Ltmp0:
0xb: {  	_ =	strace $0x80000047;
	s5 =	sshrl.u32 s1, $0x1;
	(pc) =	sbr.rel .LBB2_1-.Ltmp0, $4  }
0xc: {  	p0 =	sne.s32 s22, $0x1F;
	s1 =	ssub.s32 s1, s5;
	s4 =	sshrl.u32 s4, $0x3  }
0xd: {  	s22 =	simm.s32 $0x9880;
	s14 =	smax.u32 s1, $0x1;
	s4 =	sadd.s32 s13, s4  }
0xe: {  	s13 =	sadd.s32 $0x3D424, s13;
	s5 =	sadd.s32 $0xF600, s4;
	s6 =	sadd.s32 $0x1EC00, s4  }
0xf: {  	s7 =	sadd.s32 $0x2E024, s4;
	s8 =	sadd.s32 $0x1EFD0, s4;
	s9 =	sadd.s32 $0x2E3F4, s4  }
.LBB2_8:
0x10: {  	v0 =	vmul.u32 $0x280, v0;
	_ =	sdelay $0x1  }
0x11: {  	v0 =	vadd.s32 v1, v0  }
0x12: {  	[tilespmem:s31+$0x7A00] =	vst v0;
	v0 =	vadd.s32 $0x4B000, v0  }
0x13: {  	[tilespmem:s31+$0xB700] =	vst v0  }
0x14: {  	[tilespmem:s19], [sflag:$0x1] =	stream.indirect.gather [hbm4b:s2+s29], $0x1, s18, s29, $0xb8;
	[tilespmem:$0x16E00] =	vst v63  }
0x15: {  	_ = 	snop  }
0x16: {  	[tilespmem:s21], [sflag:$0x1] =	stream.indirect.gather [hbm4b:s2+s29], $0x1, s20, s29, $0xb8;
	[tilespmem:$0x16E00] =	vst v63  }
0x17: {  	_ =	swait.ge [sflag:s26], $0x120  }
0x18: {  	[sflag:s26] =	ssyncset.done $0x0  }
0x19: {  	[sflag:s26] =	ssyncadd.s32 $0xFFFFFEE0  }
0x1a: {  	_ =	swait.ge [sflag:s26], $0x120  }
0x1b: {  	[sflag:s26] =	ssyncset.done $0x0  }
0x1c: {  	[sflag:s26] =	ssyncadd.s32 $0xFFFFFEE0  }
0x1d: {  	[hbm4b:s12+s3] =	stream.linear.scatter [tilespmem:s19], [sflag:$0x3], $0x120, $0x38;
	[tilespmem:$0x16E00] =	vst v63  }
0x1e: {  	_ =	swait.ge [sflag:s15], $0x120  }
0x1f: {  	[sflag:s15] =	ssyncset.done $0x0  }
0x20: {  	[sflag:s15] =	ssyncadd.s32 $0xFFFFFEE0  }
0x21: {  	[hbm4b:s13+s3] =	stream.linear.scatter [tilespmem:s21], [sflag:$0x3], $0x120, $0x38;
	[tilespmem:$0x16E00] =	vst v63  }
0x22: {  	_ =	swait.ge [sflag:s15], $0x120  }
0x23: {  	[sflag:s15] =	ssyncset.done $0x0  }
0x24: {  	[sflag:s15] =	ssyncadd.s32 $0xFFFFFEE0  }
.LBB2_9:
0x25: {  	s30 =	sadd.s32 $0x1, s30  }
0x26: {  	p1 =	sne.s32 s30, s14  }
.Ltmp1:
0x27: {  	_ = 	snop;
	(pc) =	sbr.rel @!p1 .LBB2_10-.Ltmp1, $1  }
0x28: {  	_ =	sdelay $0x3  }
.LBB2_1:
0x29: {  	[tilespmem:s3], [sflag:$0x3] =	stream.linear.gather [hbm4b:s5+s3], $0x3D00, $0x38;
	[tilespmem:$0x16E00] =	vst v63  }
0x2a: {  	_ =	swait.ge [sflag:s15], $0x3D00  }
0x2b: {  	[sflag:s15] =	ssyncset.done $0x0  }
0x2c: {  	[sflag:s15] =	ssyncadd.s32 $0xFFFFC300  }
0x2d: {  	[tilespmem:s16], [sflag:$0x3] =	stream.linear.gather [hbm4b:s4+s3], $0x3D00, $0x38;
	[tilespmem:$0x16E00] =	vst v63  }
0x2e: {  	_ =	swait.ge [sflag:s15], $0x3D00  }
0x2f: {  	[sflag:s15] =	ssyncset.done $0x0  }
0x30: {  	s31 =	simm.s32 $0x0;
	[sflag:s15] =	ssyncadd.s32 $0xFFFFC300  }
0x31: {  	v0 =	vld [tilespmem:s31+$0x3D00];
	_ =	sdelay $0x1  }
0x32: {  	v1 =	vld [tilespmem:s31+$0x0]  }
0x33: {  	s1 =	simm.s32 $0x40  }
.LBB2_2:
0x34: {  	p1 =	sne.s32 s1, $0x79C0  }
.Ltmp2:
0x35: {  	s0 =	sshra.s32 s1, $0x2;
	s1 =	sadd.s32 $0x40, s1;
	v2 =	vmul.u32 $0x280, v0;
	(pc) =	sbr.rel @p1 .LBB2_2-.Ltmp2, $4  }
0x36: {  	v0 =	vld [tilespmem:s0+$0x3D00]  }
0x37: {  	v2 =	vadd.s32 v1, v2  }
0x38: {  	v1 =	vld [tilespmem:s0+$0x0];
	[tilespmem:s31+$0x7A00] =	vst v2;
	v2 =	vadd.s32 $0x4B000, v2  }
0x39: {  	[tilespmem:s31+$0xB700] =	vst v2;
	s31 =	smov.u32 s0  }
0x3a: {  	_ = 	snop  }
0x3b: {  	v0 =	vmul.u32 $0x280, v0;
	_ =	sdelay $0x1  }
0x3c: {  	v0 =	vadd.s32 v1, v0  }
0x3d: {  	[tilespmem:s31+$0x7A00] =	vst v0;
	v0 =	vadd.s32 $0x4B000, v0  }
0x3e: {  	[tilespmem:s31+$0xB700] =	vst v0  }
0x3f: {  	[tilespmem:s19], [sflag:$0x1] =	stream.indirect.gather [hbm4b:s2+s17], $0x1, s18, s17, $0xb8;
	[tilespmem:$0x16E00] =	vst v63  }
0x40: {  	s31 =	simm.s32 $0x0  }
0x41: {  	[tilespmem:s21], [sflag:$0x1] =	stream.indirect.gather [hbm4b:s2+s17], $0x1, s20, s17, $0xb8;
	[tilespmem:$0x16E00] =	vst v63  }
0x42: {  	v0 =	vld [tilespmem:s31+$0x5B80];
	_ =	sdelay $0x1  }
0x43: {  	v1 =	vld [tilespmem:s31+$0x1E80]  }
0x44: {  	s1 =	simm.s32 $0x40  }
.LBB2_4:
0x45: {  	p1 =	sne.s32 s1, $0x79C0  }
.Ltmp3:
0x46: {  	s0 =	sshra.s32 s1, $0x2;
	s1 =	sadd.s32 $0x40, s1;
	v2 =	vmul.u32 $0x280, v0;
	(pc) =	sbr.rel @p1 .LBB2_4-.Ltmp3, $4  }
0x47: {  	v0 =	vld [tilespmem:s0+$0x5B80]  }
0x48: {  	v2 =	vadd.s32 v1, v2  }
0x49: {  	v1 =	vld [tilespmem:s0+$0x1E80];
	[tilespmem:s31+$0x9880] =	vst v2;
	v2 =	vadd.s32 $0x4B000, v2  }
0x4a: {  	[tilespmem:s31+$0xD580] =	vst v2;
	s31 =	smov.u32 s0  }
0x4b: {  	_ = 	snop  }
0x4c: {  	v0 =	vmul.u32 $0x280, v0;
	_ =	sdelay $0x1  }
0x4d: {  	v0 =	vadd.s32 v1, v0  }
0x4e: {  	[tilespmem:s31+$0x9880] =	vst v0;
	v0 =	vadd.s32 $0x4B000, v0  }
0x4f: {  	[tilespmem:s31+$0xD580] =	vst v0  }
0x50: {  	[tilespmem:s23], [sflag:$0x2] =	stream.indirect.gather [hbm4b:s2+s17], $0x1, s22, s17, $0xb8;
	[tilespmem:$0x16E00] =	vst v63  }
0x51: {  	_ = 	snop  }
0x52: {  	[tilespmem:s25], [sflag:$0x2] =	stream.indirect.gather [hbm4b:s2+s17], $0x1, s24, s17, $0xb8;
	[tilespmem:$0x16E00] =	vst v63  }
0x53: {  	_ =	swait.ge [sflag:s26], $0x1E80  }
0x54: {  	[sflag:s26] =	ssyncset.done $0x0  }
0x55: {  	[sflag:s26] =	ssyncadd.s32 $0xFFFFE180  }
0x56: {  	_ =	swait.ge [sflag:s26], $0x1E80  }
0x57: {  	[sflag:s26] =	ssyncset.done $0x0  }
0x58: {  	[sflag:s26] =	ssyncadd.s32 $0xFFFFE180  }
0x59: {  	[hbm4b:s6+s3] =	stream.linear.scatter [tilespmem:s19], [sflag:$0x3], $0x1E80, $0x38;
	[tilespmem:$0x16E00] =	vst v63  }
0x5a: {  	_ =	swait.ge [sflag:s15], $0x1E80  }
0x5b: {  	[sflag:s15] =	ssyncset.done $0x0  }
0x5c: {  	[sflag:s15] =	ssyncadd.s32 $0xFFFFE180  }
0x5d: {  	[hbm4b:s7+s3] =	stream.linear.scatter [tilespmem:s21], [sflag:$0x3], $0x1E80, $0x38;
	[tilespmem:$0x16E00] =	vst v63  }
0x5e: {  	_ =	swait.ge [sflag:s15], $0x1E80  }
0x5f: {  	[sflag:s15] =	ssyncset.done $0x0  }
0x60: {  	[sflag:s15] =	ssyncadd.s32 $0xFFFFE180  }
0x61: {  	_ =	swait.ge [sflag:s28], $0x1E80  }
0x62: {  	[sflag:s28] =	ssyncset.done $0x0  }
0x63: {  	[sflag:s28] =	ssyncadd.s32 $0xFFFFE180  }
0x64: {  	_ =	swait.ge [sflag:s28], $0x1E80  }
0x65: {  	[sflag:s28] =	ssyncset.done $0x0  }
0x66: {  	[sflag:s28] =	ssyncadd.s32 $0xFFFFE180  }
0x67: {  	[hbm4b:s8+s3] =	stream.linear.scatter [tilespmem:s23], [sflag:$0x3], $0x1E80, $0x38;
	[tilespmem:$0x16E00] =	vst v63  }
0x68: {  	_ =	swait.ge [sflag:s15], $0x1E80  }
0x69: {  	[sflag:s15] =	ssyncset.done $0x0  }
.Ltmp4:
0x6a: {  	[sflag:s15] =	ssyncadd.s32 $0xFFFFE180;
	(pc) =	sbr.rel @p0 .LBB2_9-.Ltmp4, $4  }
0x6b: {  	[hbm4b:s9+s3] =	stream.linear.scatter [tilespmem:s25], [sflag:$0x3], $0x1E80, $0x38;
	[tilespmem:$0x16E00] =	vst v63  }
0x6c: {  	_ =	swait.ge [sflag:s15], $0x1E80  }
0x6d: {  	[sflag:s15] =	ssyncset.done $0x0  }
0x6e: {  	[sflag:s15] =	ssyncadd.s32 $0xFFFFE180  }
0x6f: {  	s0 =	simm.s32 $0x0  }
0x70: {  	[tilespmem:s0], [sflag:$0x3] =	stream.linear.gather [hbm4b:s10+s0], $0x120, $0x38;
	[tilespmem:$0x16E00] =	vst v63  }
0x71: {  	_ =	swait.ge [sflag:s15], $0x120  }
0x72: {  	[sflag:s15] =	ssyncset.done $0x0  }
0x73: {  	[sflag:s15] =	ssyncadd.s32 $0xFFFFFEE0  }
0x74: {  	[tilespmem:s16], [sflag:$0x3] =	stream.linear.gather [hbm4b:s11+s0], $0x120, $0x38;
	[tilespmem:$0x16E00] =	vst v63  }
0x75: {  	_ =	swait.ge [sflag:s15], $0x120  }
0x76: {  	[sflag:s15] =	ssyncset.done $0x0  }
0x77: {  	s31 =	simm.s32 $0x0;
	[sflag:s15] =	ssyncadd.s32 $0xFFFFFEE0  }
0x78: {  	v0 =	vld [tilespmem:s31+$0x3D00];
	_ =	sdelay $0x1  }
0x79: {  	v1 =	vld [tilespmem:s31+$0x0]  }
0x7a: {  	s1 =	simm.s32 $0x40  }
.LBB2_7:
0x7b: {  	p1 =	sne.s32 s1, $0x440  }
.Ltmp5:
0x7c: {  	s0 =	sshra.s32 s1, $0x2;
	s1 =	sadd.s32 $0x40, s1;
	v2 =	vmul.u32 $0x280, v0;
	(pc) =	sbr.rel @p1 .LBB2_7-.Ltmp5, $4  }
0x7d: {  	v0 =	vld [tilespmem:s0+$0x3D00]  }
0x7e: {  	v2 =	vadd.s32 v1, v2  }
0x7f: {  	v1 =	vld [tilespmem:s0+$0x0];
	[tilespmem:s31+$0x7A00] =	vst v2;
	v2 =	vadd.s32 $0x4B000, v2  }
0x80: {  	[tilespmem:s31+$0xB700] =	vst v2;
	s31 =	smov.u32 s0  }
.Ltmp6:
0x81: {  	_ = 	snop;
	(pc) =	sbr.rel .LBB2_8-.Ltmp6, $1  }
0x82: {  	_ =	sdelay $0x3  }
.LBB2_10:
0x83: {  	_ =	sfence.sel $0x180000  }
0x84: {  	[bflag:$0x0] =	sbarrier.arrive $0xFFFF  }
0x85: {  	_ =	strace $0x90000047  }
0x86: {  	s0 =	stileid.u32;
	[bflag:$0x2] =	sbarrier.arrive $0xFFFF  }
0x87: {  	p0 =	sne.s32 s0, $0x0;
	s0 =	rddreg [dreg:$0x2]  }
0x88: {  	s0 =	sadd.s32 @!p0 $0x100000, s0  }
0x89: {  	[sflag:s0] =	ssyncadd.tile.s32 @!p0 $0x1;
	_ =	shalt  }
.Lfunc_end2:
_tile_overlayer_lowered:
.L_overlay_start_2:
0x8a: {  	(tag) =	ssettag $0x2  }
0x8b: {  	s0 =	rddreg [dreg:$0x0];
	s2 =	stileid.u32  }
0x8c: {  	s1 =	rddreg [dreg:$0x1];
	p0 =	sne.s32 s2, $0x0  }
0x8d: {  	s3 =	rddreg [dreg:$0x2];
	[bflag:$0x3] =	sbarrier.arrive $0xFFFF;
	s2 =	simm.s32 @!p0 $0x1C03  }
0x8e: {  	[timem:s3], [sflag:s2] =	dma.local @!p0 [hbm:s0], s1  }
0x8f: {  	s0 =	simm.s32 @!p0 $0x3  }
0x90: {  	_ =	swait.ge @!p0 [sflag:s0], s1  }
0x91: {  	s1 =	ssub.s32 @!p0 $0x0, s1;
	[sflag:s0] =	ssyncset.done @!p0 $0x0  }
0x92: {  	[sflag:s0] =	ssyncadd.s32 @!p0 s1  }
0x93: {  	[bflag:$0x3] =	sbarrier.arrive $0xFFFF  }
0x94: {  	_ =	shalt  }

</sc_bundles>
